<compile_context>
chip_gen: v7x
topology: tpu7x:2x2x1
jax: 0.10.2.dev20260603
libtpu: 0.0.44.dev20260713+nightly
codegen_flags: <defaults>
</compile_context>

<pallas_src>
import functools

import jax
import jax.numpy as jnp
from jax import lax
from jax.experimental import pallas as pl
from jax.experimental.pallas import tpu as pltpu
from jax.experimental.pallas import tpu_sc as plsc

_B = 8
_V = 512
_NC = 2
_NS = 16
_NW = _NC * _NS
_ROWS = _B * _V
_RPW = _ROWS // _NW
_L = 16
_C = 8
_K = _RPW // _C


def _sc_body(p_hbm, inter_hbm, out_hbm, slab_v, inter_v, gidx2_v, vrows2_v,
             sem_in, sem_out, sem_g):
    cid = lax.axis_index("c")
    sid = lax.axis_index("s")
    wid = sid * _NC + cid
    base = wid * _RPW
    t = base // _V

    ins = []
    for k in range(_C):
        ins.append(pltpu.async_copy(
            p_hbm.at[pl.ds(base + k * _K, _K)],
            slab_v.at[pl.ds(k * _K, _K)],
            sem_in.at[k]))

    pltpu.sync_copy(inter_hbm, inter_v)
    lane = lax.iota(jnp.int32, 16)
    av = plsc.load_gather(inter_v, [lane * 0 + 4 * t])
    bv = plsc.load_gather(inter_v, [lane * 0 + 4 * t + 1])
    cv = plsc.load_gather(inter_v, [lane * 0 + 4 * t + 2])
    dv = plsc.load_gather(inter_v, [lane * 0 + 4 * t + 3])
    plsc.store_scatter(gidx2_v, [jnp.minimum(lane, 1)],
                       t * _V + jnp.where(lane == 0, av, bv), mask=lane < 2)
    pltpu.async_copy(p_hbm.at[gidx2_v], vrows2_v, sem_g).wait()

    pab = plsc.load_gather(vrows2_v, [lane * 0, bv])
    pac = plsc.load_gather(vrows2_v, [lane * 0, cv])
    pbd = plsc.load_gather(vrows2_v, [lane * 0 + 1, dv])
    distinct = ((av != bv) & (av != cv) & (av != dv)
                & (bv != cv) & (bv != dv) & (cv != dv))
    active = distinct & jnp.logical_not((pac > 0) | (pbd > 0))
    old = jnp.where(pab > 0, 1.0, 0.0).astype(jnp.float32)

    h = lane // 2
    wrow = jnp.where(h == 0, av, jnp.where(h == 1, bv,
           jnp.where(h == 2, cv, dv)))
    wcol = jnp.where(lane == 0, bv, jnp.where(lane == 1, cv,
           jnp.where(lane == 2, av, jnp.where(lane == 3, dv,
           jnp.where(lane == 4, dv, jnp.where(lane == 5, av,
           jnp.where(lane == 6, cv, bv)))))))
    lm4 = lane % 4
    wval = jnp.where(lm4 == 1, old,
           jnp.where(lm4 == 3, jnp.ones((_L,), jnp.float32),
                     jnp.zeros((_L,), jnp.float32)))
    grow = t * _V + wrow
    local = jnp.clip(grow - base, 0, _RPW - 1)
    wact = active & (lane < 8) & (grow >= base) & (grow < base + _RPW)

    outs = []
    for k in range(_C):
        ins[k].wait()
        mk = wact & (local >= k * _K) & (local < (k + 1) * _K)
        plsc.store_scatter(slab_v, [local, wcol], wval, mask=mk)
        outs.append(pltpu.async_copy(
            slab_v.at[pl.ds(k * _K, _K)],
            out_hbm.at[pl.ds(base + k * _K, _K)],
            sem_out.at[k]))
    for k in range(_C):
        outs[k].wait()


def kernel(Pid, intersections):
    P2 = Pid.reshape(_ROWS, _V)
    inter = intersections.astype(jnp.int32).reshape(-1)

    mesh = plsc.VectorSubcoreMesh(
        core_axis_name="c", subcore_axis_name="s",
        num_cores=_NC, num_subcores=_NS)

    run = functools.partial(
        pl.kernel,
        out_type=jax.ShapeDtypeStruct((_ROWS, _V), jnp.float32),
        mesh=mesh,
        compiler_params=pltpu.CompilerParams(needs_layout_passes=False),
        scratch_types=[
            pltpu.VMEM((_RPW, _V), jnp.float32),
            pltpu.VMEM((32,), jnp.int32),
            pltpu.VMEM((2,), jnp.int32),
            pltpu.VMEM((2, _V), jnp.float32),
            pltpu.SemaphoreType.DMA((_C,)),
            pltpu.SemaphoreType.DMA((_C,)),
            pltpu.SemaphoreType.DMA,
        ],
    )(_sc_body)

    out = run(P2, inter).reshape(_B, _V, _V)
    return (out, out)

# --- scband reference (transcript-rebuilt; emitter-appended) ---
"""Pipeline reference for scband-vertex-splitter-63015760167455 (READ-ONLY COPY).

The authoritative reference and input builder live on the scoring server;
editing this copy changes nothing except your own understanding.
"""

import jax, jax.numpy as jnp
import numpy as np


def setup_inputs(seed: int = 0) -> dict:
    key = jax.random.key(seed)
    k1, k2 = jax.random.split(key)
    Pid = jax.random.randint(k1, (8, 512, 512), 0, 2).astype(jnp.float32)
    intersections = jax.random.randint(k2, (8, 2, 2), 0, 512).astype(jnp.int64)
    return {"Pid": Pid, "intersections": intersections}


def _simulate(P, inter):
    # Faithful replay of the torch module. Note: in the torch code `A = Pid`
    # creates an ALIAS, so `A[b] = Pid[b] > 0` binarizes Pid itself (bool
    # assigned into a numeric tensor becomes 0/1). A and Pid are the same
    # object at return.
    B, V, _ = P.shape

    def step(Pb, edges):
        Pb = (Pb > 0).astype(Pb.dtype)
        a = edges[0, 0]
        b = edges[0, 1]
        c = edges[1, 0]
        d = edges[1, 1]
        new_pid = Pb.max() + 1
        distinct = (a != b) & (a != c) & (a != d) & (b != c) & (b != d) & (c != d)
        blocked = (Pb[a, c] == 1) | (Pb[b, d] == 1)
        do = distinct & jnp.logical_not(blocked)
        old_pid = Pb[a, b]
        Q = Pb.at[a, b].set(0).at[b, a].set(0).at[c, d].set(0).at[d, c].set(0)
        Q = Q.at[a, c].set(old_pid).at[c, a].set(old_pid)
        Q = Q.at[b, d].set(new_pid).at[d, b].set(new_pid)

        def body(_, state):
            Qs, curr, visited = state
            cand = (Qs[curr] != 0) & jnp.logical_not(visited)
            found = cand.any()
            j = jnp.argmax(cand).astype(curr.dtype)
            Qs = jnp.where(found, Qs.at[curr, j].set(new_pid), Qs)
            visited = visited.at[j].set(visited[j] | found)
            curr = jnp.where(found, j, curr)
            return Qs, curr, visited

        curr0 = b
        visited0 = jnp.zeros((V,), dtype=bool).at[curr0].set(True)
        Q, _, _ = jax.lax.fori_loop(0, V, body, (Q, curr0, visited0))
        Q = (Q > 0).astype(Pb.dtype)
        return jnp.where(do, Q, Pb)

    P = jax.vmap(step)(P, inter)
    return P, []


def reference(Pid, intersections):
    P, _ = _simulate(Pid, intersections)
    out = P
    # In torch, A and Pid are the same aliased tensor at return.
    return (out, out)

if __name__ == "__main__":
    import jax
    _d = setup_inputs()
    print(jax.jit(kernel)(*tuple(_d.values())))

</pallas_src>

<mosaic_0001>
#map = affine_map<(d0, d1) -> (0, 0)>
#map1 = affine_map<(d0, d1) -> (0)>
module attributes {stable_mosaic.version = 14 : i64} {
  func.func @_sc_body(%arg0: i32, %arg1: i32, %arg2: memref<4096x512xf32, #tpu.memory_space<hbm>>, %arg3: memref<32xi32, #tpu.memory_space<hbm>>, %arg4: memref<4096x512xf32, #tpu.memory_space<hbm>>, %arg5: memref<128x512xf32, #tpu.memory_space<vmem>>, %arg6: memref<32xi32, #tpu.memory_space<vmem>>, %arg7: memref<2xi32, #tpu.memory_space<vmem>>, %arg8: memref<2x512xf32, #tpu.memory_space<vmem>>, %arg9: memref<8x!tpu.dma_semaphore, #tpu.memory_space<semaphore_mem>>, %arg10: memref<8x!tpu.dma_semaphore, #tpu.memory_space<semaphore_mem>>, %arg11: memref<!tpu.dma_semaphore, #tpu.memory_space<semaphore_mem>>) attributes {dimension_semantics = [#tpu.dimension_semantics<core_parallel>, #tpu.dimension_semantics<subcore_parallel>], iteration_bounds = array<i64: 2, 16>, scalar_prefetch = 0 : i64, scratch_operands = 7 : i64, tpu.core_type = #tpu.core_type<sc_vector_subcore>, window_params = [{transform_indices = #map}, {transform_indices = #map1}, {transform_indices = #map}]} {
    %mul3A = arith.constant 2 : i32
    %mul3A_0 = arith.muli %arg1, %mul3A : i32
    %add3A = arith.addi %mul3A_0, %arg0 : i32
    %mul3A_1 = arith.constant 128 : i32
    %mul3A_2 = arith.muli %add3A, %mul3A_1 : i32
    %jit3A = arith.constant 512 : i32
    %div3A = arith.divsi %mul3A_2, %jit3A : i32
    %sign3A = arith.constant 0 : i32
    %sign3A_3 = arith.cmpi sgt, %mul3A_2, %sign3A : i32
    %sign3A_4 = arith.extui %sign3A_3 : i1 to i32
    %sign3A_5 = arith.constant 0 : i32
    %sign3A_6 = arith.cmpi slt, %mul3A_2, %sign3A_5 : i32
    %sign3A_7 = arith.extui %sign3A_6 : i1 to i32
    %sign3A_8 = arith.subi %sign3A_4, %sign3A_7 : i32
    %sign3A_9 = arith.constant 0 : i32
    %sign3A_10 = arith.cmpi sgt, %jit3A, %sign3A_9 : i32
    %sign3A_11 = arith.extui %sign3A_10 : i1 to i32
    %sign3A_12 = arith.constant 0 : i32
    %sign3A_13 = arith.cmpi slt, %jit3A, %sign3A_12 : i32
    %sign3A_14 = arith.extui %sign3A_13 : i1 to i32
    %sign3A_15 = arith.subi %sign3A_11, %sign3A_14 : i32
    %ne3A = arith.cmpi ne, %sign3A_8, %sign3A_15 : i32
    %rem3A = arith.remsi %mul3A_2, %jit3A : i32
    %ne3A_16 = arith.constant 0 : i32
    %ne3A_17 = arith.cmpi ne, %rem3A, %ne3A_16 : i32
    %and3A = arith.andi %ne3A, %ne3A_17 : i1
    %sub3A = arith.constant 1 : i32
    %sub3A_18 = arith.subi %div3A, %sub3A : i32
    %select_n3A = arith.select %and3A, %sub3A_18, %div3A : i32
    %add3A_19 = arith.constant 0 : i32
    %add3A_20 = arith.addi %mul3A_2, %add3A_19 : i32
    %dma_start3A = arith.constant 0 : i32
    %dma_start3A_21 = arith.constant 0 : i32
    %dma_start3A_22 = arith.constant 0 : i32
    %dma_start3A_23 = tpu.memref_slice %arg5[%dma_start3A_21, %dma_start3A_22] : memref<128x512xf32, #tpu.memory_space<vmem>> -> memref<16x512xf32, #tpu.memory_space<vmem>>
    %dma_start3A_24 = arith.constant 0 : i32
    %dma_start3A_25 = tpu.memref_slice %arg2[%add3A_20, %dma_start3A_24] : memref<4096x512xf32, #tpu.memory_space<hbm>> -> memref<16x512xf32, #tpu.memory_space<hbm>>
    %dma_start3A_26 = tpu.memref_slice %arg9[%dma_start3A] : memref<8x!tpu.dma_semaphore, #tpu.memory_space<semaphore_mem>> -> memref<1x!tpu.dma_semaphore, #tpu.memory_space<semaphore_mem>>
    %dma_start3A_27 = tpu.memref_squeeze %dma_start3A_26 : memref<1x!tpu.dma_semaphore, #tpu.memory_space<semaphore_mem>> -> memref<!tpu.dma_semaphore, #tpu.memory_space<semaphore_mem>>
    %dma_start3A_28 = arith.constant 0 : i32
    %dma_start3A_29 = arith.constant 0 : i32
    %dma_start3A_30 = tpu.memref_slice %arg5[%dma_start3A_28, %dma_start3A_29] : memref<128x512xf32, #tpu.memory_space<vmem>> -> memref<16x512xf32, #tpu.memory_space<vmem>>
    %dma_start3A_31 = arith.constant 0 : i32
    %dma_start3A_32 = tpu.memref_slice %arg2[%add3A_20, %dma_start3A_31] : memref<4096x512xf32, #tpu.memory_space<hbm>> -> memref<16x512xf32, #tpu.memory_space<hbm>>
    tpu.enqueue_dma source(%dma_start3A_32 : memref<16x512xf32, #tpu.memory_space<hbm>>) target(%dma_start3A_30 : memref<16x512xf32, #tpu.memory_space<vmem>>) target_semaphore(%dma_start3A_27 : memref<!tpu.dma_semaphore, #tpu.memory_space<semaphore_mem>>)
    %add3A_33 = arith.constant 16 : i32
    %add3A_34 = arith.addi %mul3A_2, %add3A_33 : i32
    %dma_start3A_35 = arith.constant 1 : i32
    %dma_start3A_36 = arith.constant 16 : i32
    %dma_start3A_37 = arith.constant 0 : i32
    %dma_start3A_38 = tpu.memref_slice %arg5[%dma_start3A_36, %dma_start3A_37] : memref<128x512xf32, #tpu.memory_space<vmem>> -> memref<16x512xf32, #tpu.memory_space<vmem>>
    %dma_start3A_39 = arith.constant 0 : i32
    %dma_start3A_40 = tpu.memref_slice %arg2[%add3A_34, %dma_start3A_39] : memref<4096x512xf32, #tpu.memory_space<hbm>> -> memref<16x512xf32, #tpu.memory_space<hbm>>
    %dma_start3A_41 = tpu.memref_slice %arg9[%dma_start3A_35] : memref<8x!tpu.dma_semaphore, #tpu.memory_space<semaphore_mem>> -> memref<1x!tpu.dma_semaphore, #tpu.memory_space<semaphore_mem>>
    %dma_start3A_42 = tpu.memref_squeeze %dma_start3A_41 : memref<1x!tpu.dma_semaphore, #tpu.memory_space<semaphore_mem>> -> memref<!tpu.dma_semaphore, #tpu.memory_space<semaphore_mem>>
    %dma_start3A_43 = arith.constant 16 : i32
    %dma_start3A_44 = arith.constant 0 : i32
    %dma_start3A_45 = tpu.memref_slice %arg5[%dma_start3A_43, %dma_start3A_44] : memref<128x512xf32, #tpu.memory_space<vmem>> -> memref<16x512xf32, #tpu.memory_space<vmem>>
    %dma_start3A_46 = arith.constant 0 : i32
    %dma_start3A_47 = tpu.memref_slice %arg2[%add3A_34, %dma_start3A_46] : memref<4096x512xf32, #tpu.memory_space<hbm>> -> memref<16x512xf32, #tpu.memory_space<hbm>>
    tpu.enqueue_dma source(%dma_start3A_47 : memref<16x512xf32, #tpu.memory_space<hbm>>) target(%dma_start3A_45 : memref<16x512xf32, #tpu.memory_space<vmem>>) target_semaphore(%dma_start3A_42 : memref<!tpu.dma_semaphore, #tpu.memory_space<semaphore_mem>>)
    %add3A_48 = arith.constant 32 : i32
    %add3A_49 = arith.addi %mul3A_2, %add3A_48 : i32
    %dma_start3A_50 = arith.constant 2 : i32
    %dma_start3A_51 = arith.constant 32 : i32
    %dma_start3A_52 = arith.constant 0 : i32
    %dma_start3A_53 = tpu.memref_slice %arg5[%dma_start3A_51, %dma_start3A_52] : memref<128x512xf32, #tpu.memory_space<vmem>> -> memref<16x512xf32, #tpu.memory_space<vmem>>
    %dma_start3A_54 = arith.constant 0 : i32
    %dma_start3A_55 = tpu.memref_slice %arg2[%add3A_49, %dma_start3A_54] : memref<4096x512xf32, #tpu.memory_space<hbm>> -> memref<16x512xf32, #tpu.memory_space<hbm>>
    %dma_start3A_56 = tpu.memref_slice %arg9[%dma_start3A_50] : memref<8x!tpu.dma_semaphore, #tpu.memory_space<semaphore_mem>> -> memref<1x!tpu.dma_semaphore, #tpu.memory_space<semaphore_mem>>
    %dma_start3A_57 = tpu.memref_squeeze %dma_start3A_56 : memref<1x!tpu.dma_semaphore, #tpu.memory_space<semaphore_mem>> -> memref<!tpu.dma_semaphore, #tpu.memory_space<semaphore_mem>>
    %dma_start3A_58 = arith.constant 32 : i32
    %dma_start3A_59 = arith.constant 0 : i32
    %dma_start3A_60 = tpu.memref_slice %arg5[%dma_start3A_58, %dma_start3A_59] : memref<128x512xf32, #tpu.memory_space<vmem>> -> memref<16x512xf32, #tpu.memory_space<vmem>>
    %dma_start3A_61 = arith.constant 0 : i32
    %dma_start3A_62 = tpu.memref_slice %arg2[%add3A_49, %dma_start3A_61] : memref<4096x512xf32, #tpu.memory_space<hbm>> -> memref<16x512xf32, #tpu.memory_space<hbm>>
    tpu.enqueue_dma source(%dma_start3A_62 : memref<16x512xf32, #tpu.memory_space<hbm>>) target(%dma_start3A_60 : memref<16x512xf32, #tpu.memory_space<vmem>>) target_semaphore(%dma_start3A_57 : memref<!tpu.dma_semaphore, #tpu.memory_space<semaphore_mem>>)
    %add3A_63 = arith.constant 48 : i32
    %add3A_64 = arith.addi %mul3A_2, %add3A_63 : i32
    %dma_start3A_65 = arith.constant 3 : i32
    %dma_start3A_66 = arith.constant 48 : i32
    %dma_start3A_67 = arith.constant 0 : i32
    %dma_start3A_68 = tpu.memref_slice %arg5[%dma_start3A_66, %dma_start3A_67] : memref<128x512xf32, #tpu.memory_space<vmem>> -> memref<16x512xf32, #tpu.memory_space<vmem>>
    %dma_start3A_69 = arith.constant 0 : i32
    %dma_start3A_70 = tpu.memref_slice %arg2[%add3A_64, %dma_start3A_69] : memref<4096x512xf32, #tpu.memory_space<hbm>> -> memref<16x512xf32, #tpu.memory_space<hbm>>
    %dma_start3A_71 = tpu.memref_slice %arg9[%dma_start3A_65] : memref<8x!tpu.dma_semaphore, #tpu.memory_space<semaphore_mem>> -> memref<1x!tpu.dma_semaphore, #tpu.memory_space<semaphore_mem>>
    %dma_start3A_72 = tpu.memref_squeeze %dma_start3A_71 : memref<1x!tpu.dma_semaphore, #tpu.memory_space<semaphore_mem>> -> memref<!tpu.dma_semaphore, #tpu.memory_space<semaphore_mem>>
    %dma_start3A_73 = arith.constant 48 : i32
    %dma_start3A_74 = arith.constant 0 : i32
    %dma_start3A_75 = tpu.memref_slice %arg5[%dma_start3A_73, %dma_start3A_74] : memref<128x512xf32, #tpu.memory_space<vmem>> -> memref<16x512xf32, #tpu.memory_space<vmem>>
    %dma_start3A_76 = arith.constant 0 : i32
    %dma_start3A_77 = tpu.memref_slice %arg2[%add3A_64, %dma_start3A_76] : memref<4096x512xf32, #tpu.memory_space<hbm>> -> memref<16x512xf32, #tpu.memory_space<hbm>>
    tpu.enqueue_dma source(%dma_start3A_77 : memref<16x512xf32, #tpu.memory_space<hbm>>) target(%dma_start3A_75 : memref<16x512xf32, #tpu.memory_space<vmem>>) target_semaphore(%dma_start3A_72 : memref<!tpu.dma_semaphore, #tpu.memory_space<semaphore_mem>>)
    %add3A_78 = arith.constant 64 : i32
    %add3A_79 = arith.addi %mul3A_2, %add3A_78 : i32
    %dma_start3A_80 = arith.constant 4 : i32
    %dma_start3A_81 = arith.constant 64 : i32
    %dma_start3A_82 = arith.constant 0 : i32
    %dma_start3A_83 = tpu.memref_slice %arg5[%dma_start3A_81, %dma_start3A_82] : memref<128x512xf32, #tpu.memory_space<vmem>> -> memref<16x512xf32, #tpu.memory_space<vmem>>
    %dma_start3A_84 = arith.constant 0 : i32
    %dma_start3A_85 = tpu.memref_slice %arg2[%add3A_79, %dma_start3A_84] : memref<4096x512xf32, #tpu.memory_space<hbm>> -> memref<16x512xf32, #tpu.memory_space<hbm>>
    %dma_start3A_86 = tpu.memref_slice %arg9[%dma_start3A_80] : memref<8x!tpu.dma_semaphore, #tpu.memory_space<semaphore_mem>> -> memref<1x!tpu.dma_semaphore, #tpu.memory_space<semaphore_mem>>
    %dma_start3A_87 = tpu.memref_squeeze %dma_start3A_86 : memref<1x!tpu.dma_semaphore, #tpu.memory_space<semaphore_mem>> -> memref<!tpu.dma_semaphore, #tpu.memory_space<semaphore_mem>>
    %dma_start3A_88 = arith.constant 64 : i32
    %dma_start3A_89 = arith.constant 0 : i32
    %dma_start3A_90 = tpu.memref_slice %arg5[%dma_start3A_88, %dma_start3A_89] : memref<128x512xf32, #tpu.memory_space<vmem>> -> memref<16x512xf32, #tpu.memory_space<vmem>>
    %dma_start3A_91 = arith.constant 0 : i32
    %dma_start3A_92 = tpu.memref_slice %arg2[%add3A_79, %dma_start3A_91] : memref<4096x512xf32, #tpu.memory_space<hbm>> -> memref<16x512xf32, #tpu.memory_space<hbm>>
    tpu.enqueue_dma source(%dma_start3A_92 : memref<16x512xf32, #tpu.memory_space<hbm>>) target(%dma_start3A_90 : memref<16x512xf32, #tpu.memory_space<vmem>>) target_semaphore(%dma_start3A_87 : memref<!tpu.dma_semaphore, #tpu.memory_space<semaphore_mem>>)
    %add3A_93 = arith.constant 80 : i32
    %add3A_94 = arith.addi %mul3A_2, %add3A_93 : i32
    %dma_start3A_95 = arith.constant 5 : i32
    %dma_start3A_96 = arith.constant 80 : i32
    %dma_start3A_97 = arith.constant 0 : i32
    %dma_start3A_98 = tpu.memref_slice %arg5[%dma_start3A_96, %dma_start3A_97] : memref<128x512xf32, #tpu.memory_space<vmem>> -> memref<16x512xf32, #tpu.memory_space<vmem>>
    %dma_start3A_99 = arith.constant 0 : i32
    %dma_start3A_100 = tpu.memref_slice %arg2[%add3A_94, %dma_start3A_99] : memref<4096x512xf32, #tpu.memory_space<hbm>> -> memref<16x512xf32, #tpu.memory_space<hbm>>
    %dma_start3A_101 = tpu.memref_slice %arg9[%dma_start3A_95] : memref<8x!tpu.dma_semaphore, #tpu.memory_space<semaphore_mem>> -> memref<1x!tpu.dma_semaphore, #tpu.memory_space<semaphore_mem>>
    %dma_start3A_102 = tpu.memref_squeeze %dma_start3A_101 : memref<1x!tpu.dma_semaphore, #tpu.memory_space<semaphore_mem>> -> memref<!tpu.dma_semaphore, #tpu.memory_space<semaphore_mem>>
    %dma_start3A_103 = arith.constant 80 : i32
    %dma_start3A_104 = arith.constant 0 : i32
    %dma_start3A_105 = tpu.memref_slice %arg5[%dma_start3A_103, %dma_start3A_104] : memref<128x512xf32, #tpu.memory_space<vmem>> -> memref<16x512xf32, #tpu.memory_space<vmem>>
    %dma_start3A_106 = arith.constant 0 : i32
    %dma_start3A_107 = tpu.memref_slice %arg2[%add3A_94, %dma_start3A_106] : memref<4096x512xf32, #tpu.memory_space<hbm>> -> memref<16x512xf32, #tpu.memory_space<hbm>>
    tpu.enqueue_dma source(%dma_start3A_107 : memref<16x512xf32, #tpu.memory_space<hbm>>) target(%dma_start3A_105 : memref<16x512xf32, #tpu.memory_space<vmem>>) target_semaphore(%dma_start3A_102 : memref<!tpu.dma_semaphore, #tpu.memory_space<semaphore_mem>>)
    %add3A_108 = arith.constant 96 : i32
    %add3A_109 = arith.addi %mul3A_2, %add3A_108 : i32
    %dma_start3A_110 = arith.constant 6 : i32
    %dma_start3A_111 = arith.constant 96 : i32
    %dma_start3A_112 = arith.constant 0 : i32
    %dma_start3A_113 = tpu.memref_slice %arg5[%dma_start3A_111, %dma_start3A_112] : memref<128x512xf32, #tpu.memory_space<vmem>> -> memref<16x512xf32, #tpu.memory_space<vmem>>
    %dma_start3A_114 = arith.constant 0 : i32
    %dma_start3A_115 = tpu.memref_slice %arg2[%add3A_109, %dma_start3A_114] : memref<4096x512xf32, #tpu.memory_space<hbm>> -> memref<16x512xf32, #tpu.memory_space<hbm>>
    %dma_start3A_116 = tpu.memref_slice %arg9[%dma_start3A_110] : memref<8x!tpu.dma_semaphore, #tpu.memory_space<semaphore_mem>> -> memref<1x!tpu.dma_semaphore, #tpu.memory_space<semaphore_mem>>
    %dma_start3A_117 = tpu.memref_squeeze %dma_start3A_116 : memref<1x!tpu.dma_semaphore, #tpu.memory_space<semaphore_mem>> -> memref<!tpu.dma_semaphore, #tpu.memory_space<semaphore_mem>>
    %dma_start3A_118 = arith.constant 96 : i32
    %dma_start3A_119 = arith.constant 0 : i32
    %dma_start3A_120 = tpu.memref_slice %arg5[%dma_start3A_118, %dma_start3A_119] : memref<128x512xf32, #tpu.memory_space<vmem>> -> memref<16x512xf32, #tpu.memory_space<vmem>>
    %dma_start3A_121 = arith.constant 0 : i32
    %dma_start3A_122 = tpu.memref_slice %arg2[%add3A_109, %dma_start3A_121] : memref<4096x512xf32, #tpu.memory_space<hbm>> -> memref<16x512xf32, #tpu.memory_space<hbm>>
    tpu.enqueue_dma source(%dma_start3A_122 : memref<16x512xf32, #tpu.memory_space<hbm>>) target(%dma_start3A_120 : memref<16x512xf32, #tpu.memory_space<vmem>>) target_semaphore(%dma_start3A_117 : memref<!tpu.dma_semaphore, #tpu.memory_space<semaphore_mem>>)
    %add3A_123 = arith.constant 112 : i32
    %add3A_124 = arith.addi %mul3A_2, %add3A_123 : i32
    %dma_start3A_125 = arith.constant 7 : i32
    %dma_start3A_126 = arith.constant 112 : i32
    %dma_start3A_127 = arith.constant 0 : i32
    %dma_start3A_128 = tpu.memref_slice %arg5[%dma_start3A_126, %dma_start3A_127] : memref<128x512xf32, #tpu.memory_space<vmem>> -> memref<16x512xf32, #tpu.memory_space<vmem>>
    %dma_start3A_129 = arith.constant 0 : i32
    %dma_start3A_130 = tpu.memref_slice %arg2[%add3A_124, %dma_start3A_129] : memref<4096x512xf32, #tpu.memory_space<hbm>> -> memref<16x512xf32, #tpu.memory_space<hbm>>
    %dma_start3A_131 = tpu.memref_slice %arg9[%dma_start3A_125] : memref<8x!tpu.dma_semaphore, #tpu.memory_space<semaphore_mem>> -> memref<1x!tpu.dma_semaphore, #tpu.memory_space<semaphore_mem>>
    %dma_start3A_132 = tpu.memref_squeeze %dma_start3A_131 : memref<1x!tpu.dma_semaphore, #tpu.memory_space<semaphore_mem>> -> memref<!tpu.dma_semaphore, #tpu.memory_space<semaphore_mem>>
    %dma_start3A_133 = arith.constant 112 : i32
    %dma_start3A_134 = arith.constant 0 : i32
    %dma_start3A_135 = tpu.memref_slice %arg5[%dma_start3A_133, %dma_start3A_134] : memref<128x512xf32, #tpu.memory_space<vmem>> -> memref<16x512xf32, #tpu.memory_space<vmem>>
    %dma_start3A_136 = arith.constant 0 : i32
    %dma_start3A_137 = tpu.memref_slice %arg2[%add3A_124, %dma_start3A_136] : memref<4096x512xf32, #tpu.memory_space<hbm>> -> memref<16x512xf32, #tpu.memory_space<hbm>>
    tpu.enqueue_dma source(%dma_start3A_137 : memref<16x512xf32, #tpu.memory_space<hbm>>) target(%dma_start3A_135 : memref<16x512xf32, #tpu.memory_space<vmem>>) target_semaphore(%dma_start3A_132 : memref<!tpu.dma_semaphore, #tpu.memory_space<semaphore_mem>>)
    "tpu.region"() ({
      %run_scoped3A = tpu.sem_alloc : memref<!tpu.dma_semaphore, #tpu.memory_space<semaphore_mem>>
      tpu.enqueue_dma source(%arg3 : memref<32xi32, #tpu.memory_space<hbm>>) target(%arg6 : memref<32xi32, #tpu.memory_space<vmem>>) target_semaphore(%run_scoped3A : memref<!tpu.dma_semaphore, #tpu.memory_space<semaphore_mem>>)
      tpu.wait_dma2 semaphore(%run_scoped3A : memref<!tpu.dma_semaphore, #tpu.memory_space<semaphore_mem>>) src(%arg3 : memref<32xi32, #tpu.memory_space<hbm>>) dst(%arg6 : memref<32xi32, #tpu.memory_space<vmem>>)
      tpu.yield
    }) : () -> ()
    %iota3A = tpu.iota {dimensions = array<i32: 0>} : vector<16xi32>
    %mul3A_138 = arith.constant 0 : i32
    %mul3A_139 = vector.broadcast %mul3A_138 : i32 to vector<16xi32>
    %mul3A_140 = arith.muli %iota3A, %mul3A_139 : vector<16xi32>
    %mul3A_141 = arith.constant 4 : i32
    %mul3A_142 = arith.muli %mul3A_141, %select_n3A : i32
    %add3A_143 = vector.broadcast %mul3A_142 : i32 to vector<16xi32>
    %add3A_144 = arith.addi %mul3A_140, %add3A_143 : vector<16xi32>
    %gather3A = tpu.vector_load_idx %arg6[%add3A_144] : memref<32xi32, #tpu.memory_space<vmem>>[vector<16xi32>], vector<16xi32>,
    %mul3A_145 = arith.constant 0 : i32
    %mul3A_146 = vector.broadcast %mul3A_145 : i32 to vector<16xi32>
    %mul3A_147 = arith.muli %iota3A, %mul3A_146 : vector<16xi32>
    %mul3A_148 = arith.constant 4 : i32
    %mul3A_149 = arith.muli %mul3A_148, %select_n3A : i32
    %add3A_150 = vector.broadcast %mul3A_149 : i32 to vector<16xi32>
    %add3A_151 = arith.addi %mul3A_147, %add3A_150 : vector<16xi32>
    %add3A_152 = arith.constant 1 : i32
    %add3A_153 = vector.broadcast %add3A_152 : i32 to vector<16xi32>
    %add3A_154 = arith.addi %add3A_151, %add3A_153 : vector<16xi32>
    %gather3A_155 = tpu.vector_load_idx %arg6[%add3A_154] : memref<32xi32, #tpu.memory_space<vmem>>[vector<16xi32>], vector<16xi32>,
    %mul3A_156 = arith.constant 0 : i32
    %mul3A_157 = vector.broadcast %mul3A_156 : i32 to vector<16xi32>
    %mul3A_158 = arith.muli %iota3A, %mul3A_157 : vector<16xi32>
    %mul3A_159 = arith.constant 4 : i32
    %mul3A_160 = arith.muli %mul3A_159, %select_n3A : i32
    %add3A_161 = vector.broadcast %mul3A_160 : i32 to vector<16xi32>
    %add3A_162 = arith.addi %mul3A_158, %add3A_161 : vector<16xi32>
    %add3A_163 = arith.constant 2 : i32
    %add3A_164 = vector.broadcast %add3A_163 : i32 to vector<16xi32>
    %add3A_165 = arith.addi %add3A_162, %add3A_164 : vector<16xi32>
    %gather3A_166 = tpu.vector_load_idx %arg6[%add3A_165] : memref<32xi32, #tpu.memory_space<vmem>>[vector<16xi32>], vector<16xi32>,
    %mul3A_167 = arith.constant 0 : i32
    %mul3A_168 = vector.broadcast %mul3A_167 : i32 to vector<16xi32>
    %mul3A_169 = arith.muli %iota3A, %mul3A_168 : vector<16xi32>
    %mul3A_170 = arith.constant 4 : i32
    %mul3A_171 = arith.muli %mul3A_170, %select_n3A : i32
    %add3A_172 = vector.broadcast %mul3A_171 : i32 to vector<16xi32>
    %add3A_173 = arith.addi %mul3A_169, %add3A_172 : vector<16xi32>
    %add3A_174 = arith.constant 3 : i32
    %add3A_175 = vector.broadcast %add3A_174 : i32 to vector<16xi32>
    %add3A_176 = arith.addi %add3A_173, %add3A_175 : vector<16xi32>
    %gather3A_177 = tpu.vector_load_idx %arg6[%add3A_176] : memref<32xi32, #tpu.memory_space<vmem>>[vector<16xi32>], vector<16xi32>,
    %min3A = arith.constant 1 : i32
    %min3A_178 = vector.broadcast %min3A : i32 to vector<16xi32>
    %min3A_179 = arith.minsi %iota3A, %min3A_178 : vector<16xi32>
    %mul3A_180 = arith.constant 512 : i32
    %mul3A_181 = arith.muli %select_n3A, %mul3A_180 : i32
    %eq3A = arith.constant 0 : i32
    %eq3A_182 = vector.broadcast %eq3A : i32 to vector<16xi32>
    %eq3A_183 = arith.cmpi eq, %iota3A, %eq3A_182 : vector<16xi32>
    %select_n3A_184 = arith.select %eq3A_183, %gather3A, %gather3A_155 : vector<16xi1>, vector<16xi32>
    %add3A_185 = vector.broadcast %mul3A_181 : i32 to vector<16xi32>
    %add3A_186 = arith.addi %add3A_185, %select_n3A_184 : vector<16xi32>
    %lt3A = arith.constant 2 : i32
    %lt3A_187 = vector.broadcast %lt3A : i32 to vector<16xi32>
    %lt3A_188 = arith.cmpi slt, %iota3A, %lt3A_187 : vector<16xi32>
    tpu.vector_store_idx %arg7[%min3A_179], %add3A_186 masked %lt3A_188 : memref<2xi32, #tpu.memory_space<vmem>>[vector<16xi32>], vector<16xi32>, vector<16xi1>
    %dma_start3A_189 = arith.constant 0 : i32
    %dma_start3A_190 = arith.constant 0 : i32
    %dma_start3A_191 = tpu.memref_slice %arg2[%dma_start3A_189, %dma_start3A_190] : memref<4096x512xf32, #tpu.memory_space<hbm>> -> memref<4096x512xf32, #tpu.memory_space<hbm>>
    tpu.enqueue_indirect_dma source(%dma_start3A_191 : memref<4096x512xf32, #tpu.memory_space<hbm>>) target(%arg8 : memref<2x512xf32, #tpu.memory_space<vmem>>) offsets(%arg7 : memref<2xi32, #tpu.memory_space<vmem>>) semaphore(%arg11 : memref<!tpu.dma_semaphore, #tpu.memory_space<semaphore_mem>>)
    %dma_wait3A = arith.constant 0 : i32
    %dma_wait3A_192 = arith.constant 0 : i32
    %dma_wait3A_193 = tpu.memref_slice %arg2[%dma_wait3A, %dma_wait3A_192] : memref<4096x512xf32, #tpu.memory_space<hbm>> -> memref<4096x512xf32, #tpu.memory_space<hbm>>
    tpu.wait_indirect_dma semaphore(%arg11 : memref<!tpu.dma_semaphore, #tpu.memory_space<semaphore_mem>>) src(%dma_wait3A_193 : memref<4096x512xf32, #tpu.memory_space<hbm>>) dst(%arg8 : memref<2x512xf32, #tpu.memory_space<vmem>>)
    %mul3A_194 = arith.constant 0 : i32
    %mul3A_195 = vector.broadcast %mul3A_194 : i32 to vector<16xi32>
    %mul3A_196 = arith.muli %iota3A, %mul3A_195 : vector<16xi32>
    %gather3A_197 = tpu.vector_load_idx %arg8[%mul3A_196, %gather3A_155] : memref<2x512xf32, #tpu.memory_space<vmem>>[vector<16xi32>, vector<16xi32>], vector<16xf32>,
    %mul3A_198 = arith.constant 0 : i32
    %mul3A_199 = vector.broadcast %mul3A_198 : i32 to vector<16xi32>
    %mul3A_200 = arith.muli %iota3A, %mul3A_199 : vector<16xi32>
    %gather3A_201 = tpu.vector_load_idx %arg8[%mul3A_200, %gather3A_166] : memref<2x512xf32, #tpu.memory_space<vmem>>[vector<16xi32>, vector<16xi32>], vector<16xf32>,
    %mul3A_202 = arith.constant 0 : i32
    %mul3A_203 = vector.broadcast %mul3A_202 : i32 to vector<16xi32>
    %mul3A_204 = arith.muli %iota3A, %mul3A_203 : vector<16xi32>
    %add3A_205 = arith.constant 1 : i32
    %add3A_206 = vector.broadcast %add3A_205 : i32 to vector<16xi32>
    %add3A_207 = arith.addi %mul3A_204, %add3A_206 : vector<16xi32>
    %gather3A_208 = tpu.vector_load_idx %arg8[%add3A_207, %gather3A_177] : memref<2x512xf32, #tpu.memory_space<vmem>>[vector<16xi32>, vector<16xi32>], vector<16xf32>,
    %ne3A_209 = arith.cmpi ne, %gather3A, %gather3A_155 : vector<16xi32>
    %ne3A_210 = arith.cmpi ne, %gather3A, %gather3A_166 : vector<16xi32>
    %and3A_211 = arith.andi %ne3A_209, %ne3A_210 : vector<16xi1>
    %ne3A_212 = arith.cmpi ne, %gather3A, %gather3A_177 : vector<16xi32>
    %and3A_213 = arith.andi %and3A_211, %ne3A_212 : vector<16xi1>
    %ne3A_214 = arith.cmpi ne, %gather3A_155, %gather3A_166 : vector<16xi32>
    %and3A_215 = arith.andi %and3A_213, %ne3A_214 : vector<16xi1>
    %ne3A_216 = arith.cmpi ne, %gather3A_155, %gather3A_177 : vector<16xi32>
    %and3A_217 = arith.andi %and3A_215, %ne3A_216 : vector<16xi1>
    %ne3A_218 = arith.cmpi ne, %gather3A_166, %gather3A_177 : vector<16xi32>
    %and3A_219 = arith.andi %and3A_217, %ne3A_218 : vector<16xi1>
    %gt3A = arith.constant 0.000000e+00 : f32
    %gt3A_220 = vector.broadcast %gt3A : f32 to vector<16xf32>
    %gt3A_221 = arith.cmpf ogt, %gather3A_201, %gt3A_220 : vector<16xf32>
    %gt3A_222 = arith.constant 0.000000e+00 : f32
    %gt3A_223 = vector.broadcast %gt3A_222 : f32 to vector<16xf32>
    %gt3A_224 = arith.cmpf ogt, %gather3A_208, %gt3A_223 : vector<16xf32>
    %or3A = arith.ori %gt3A_221, %gt3A_224 : vector<16xi1>
    %not3A = arith.constant dense<true> : vector<16xi1>
    %not3A_225 = arith.xori %or3A, %not3A : vector<16xi1>
    %and3A_226 = arith.andi %and3A_219, %not3A_225 : vector<16xi1>
    %gt3A_227 = arith.constant 0.000000e+00 : f32
    %gt3A_228 = vector.broadcast %gt3A_227 : f32 to vector<16xf32>
    %gt3A_229 = arith.cmpf ogt, %gather3A_197, %gt3A_228 : vector<16xf32>
    %jit3A_230 = arith.constant 1.000000e+00 : f32
    %jit3A_231 = arith.constant 0.000000e+00 : f32
    %broadcast_in_dim3A = vector.broadcast %jit3A_230 : f32 to vector<16xf32>
    %broadcast_in_dim3A_232 = vector.broadcast %jit3A_231 : f32 to vector<16xf32>
    %select_n3A_233 = arith.select %gt3A_229, %broadcast_in_dim3A, %broadcast_in_dim3A_232 : vector<16xi1>, vector<16xf32>
    %jit3A_234 = arith.constant 2 : i32
    %div3A_235 = vector.broadcast %jit3A_234 : i32 to vector<16xi32>
    %div3A_236 = arith.divsi %iota3A, %div3A_235 : vector<16xi32>
    %sign3A_237 = arith.constant 0 : i32
    %sign3A_238 = vector.broadcast %sign3A_237 : i32 to vector<16xi32>
    %sign3A_239 = arith.cmpi sgt, %iota3A, %sign3A_238 : vector<16xi32>
    %sign3A_240 = arith.extui %sign3A_239 : vector<16xi1> to vector<16xi32>
    %sign3A_241 = arith.constant 0 : i32
    %sign3A_242 = vector.broadcast %sign3A_241 : i32 to vector<16xi32>
    %sign3A_243 = arith.cmpi slt, %iota3A, %sign3A_242 : vector<16xi32>
    %sign3A_244 = arith.extui %sign3A_243 : vector<16xi1> to vector<16xi32>
    %sign3A_245 = arith.subi %sign3A_240, %sign3A_244 : vector<16xi32>
    %sign3A_246 = arith.constant 0 : i32
    %sign3A_247 = arith.cmpi sgt, %jit3A_234, %sign3A_246 : i32
    %sign3A_248 = arith.extui %sign3A_247 : i1 to i32
    %sign3A_249 = arith.constant 0 : i32
    %sign3A_250 = arith.cmpi slt, %jit3A_234, %sign3A_249 : i32
    %sign3A_251 = arith.extui %sign3A_250 : i1 to i32
    %sign3A_252 = arith.subi %sign3A_248, %sign3A_251 : i32
    %ne3A_253 = vector.broadcast %sign3A_252 : i32 to vector<16xi32>
    %ne3A_254 = arith.cmpi ne, %sign3A_245, %ne3A_253 : vector<16xi32>
    %rem3A_255 = vector.broadcast %jit3A_234 : i32 to vector<16xi32>
    %rem3A_256 = arith.remsi %iota3A, %rem3A_255 : vector<16xi32>
    %ne3A_257 = arith.constant 0 : i32
    %ne3A_258 = vector.broadcast %ne3A_257 : i32 to vector<16xi32>
    %ne3A_259 = arith.cmpi ne, %rem3A_256, %ne3A_258 : vector<16xi32>
    %and3A_260 = arith.andi %ne3A_254, %ne3A_259 : vector<16xi1>
    %sub3A_261 = arith.constant 1 : i32
    %sub3A_262 = vector.broadcast %sub3A_261 : i32 to vector<16xi32>
    %sub3A_263 = arith.subi %div3A_236, %sub3A_262 : vector<16xi32>
    %select_n3A_264 = arith.select %and3A_260, %sub3A_263, %div3A_236 : vector<16xi1>, vector<16xi32>
    %eq3A_265 = arith.constant 0 : i32
    %eq3A_266 = vector.broadcast %eq3A_265 : i32 to vector<16xi32>
    %eq3A_267 = arith.cmpi eq, %select_n3A_264, %eq3A_266 : vector<16xi32>
    %eq3A_268 = arith.constant 1 : i32
    %eq3A_269 = vector.broadcast %eq3A_268 : i32 to vector<16xi32>
    %eq3A_270 = arith.cmpi eq, %select_n3A_264, %eq3A_269 : vector<16xi32>
    %eq3A_271 = arith.constant 2 : i32
    %eq3A_272 = vector.broadcast %eq3A_271 : i32 to vector<16xi32>
    %eq3A_273 = arith.cmpi eq, %select_n3A_264, %eq3A_272 : vector<16xi32>
    %select_n3A_274 = arith.select %eq3A_273, %gather3A_166, %gather3A_177 : vector<16xi1>, vector<16xi32>
    %select_n3A_275 = arith.select %eq3A_270, %gather3A_155, %select_n3A_274 : vector<16xi1>, vector<16xi32>
    %select_n3A_276 = arith.select %eq3A_267, %gather3A, %select_n3A_275 : vector<16xi1>, vector<16xi32>
    %eq3A_277 = arith.constant 0 : i32
    %eq3A_278 = vector.broadcast %eq3A_277 : i32 to vector<16xi32>
    %eq3A_279 = arith.cmpi eq, %iota3A, %eq3A_278 : vector<16xi32>
    %eq3A_280 = arith.constant 1 : i32
    %eq3A_281 = vector.broadcast %eq3A_280 : i32 to vector<16xi32>
    %eq3A_282 = arith.cmpi eq, %iota3A, %eq3A_281 : vector<16xi32>
    %eq3A_283 = arith.constant 2 : i32
    %eq3A_284 = vector.broadcast %eq3A_283 : i32 to vector<16xi32>
    %eq3A_285 = arith.cmpi eq, %iota3A, %eq3A_284 : vector<16xi32>
    %eq3A_286 = arith.constant 3 : i32
    %eq3A_287 = vector.broadcast %eq3A_286 : i32 to vector<16xi32>
    %eq3A_288 = arith.cmpi eq, %iota3A, %eq3A_287 : vector<16xi32>
    %eq3A_289 = arith.constant 4 : i32
    %eq3A_290 = vector.broadcast %eq3A_289 : i32 to vector<16xi32>
    %eq3A_291 = arith.cmpi eq, %iota3A, %eq3A_290 : vector<16xi32>
    %eq3A_292 = arith.constant 5 : i32
    %eq3A_293 = vector.broadcast %eq3A_292 : i32 to vector<16xi32>
    %eq3A_294 = arith.cmpi eq, %iota3A, %eq3A_293 : vector<16xi32>
    %eq3A_295 = arith.constant 6 : i32
    %eq3A_296 = vector.broadcast %eq3A_295 : i32 to vector<16xi32>
    %eq3A_297 = arith.cmpi eq, %iota3A, %eq3A_296 : vector<16xi32>
    %select_n3A_298 = arith.select %eq3A_297, %gather3A_166, %gather3A_155 : vector<16xi1>, vector<16xi32>
    %select_n3A_299 = arith.select %eq3A_294, %gather3A, %select_n3A_298 : vector<16xi1>, vector<16xi32>
    %select_n3A_300 = arith.select %eq3A_291, %gather3A_177, %select_n3A_299 : vector<16xi1>, vector<16xi32>
    %select_n3A_301 = arith.select %eq3A_288, %gather3A_177, %select_n3A_300 : vector<16xi1>, vector<16xi32>
    %select_n3A_302 = arith.select %eq3A_285, %gather3A, %select_n3A_301 : vector<16xi1>, vector<16xi32>
    %select_n3A_303 = arith.select %eq3A_282, %gather3A_166, %select_n3A_302 : vector<16xi1>, vector<16xi32>
    %select_n3A_304 = arith.select %eq3A_279, %gather3A_155, %select_n3A_303 : vector<16xi1>, vector<16xi32>
    %jit3A_305 = arith.constant 4 : i32
    %eq3A_306 = arith.constant 0 : i32
    %eq3A_307 = arith.cmpi eq, %jit3A_305, %eq3A_306 : i32
    %jit3A_308 = arith.constant 1 : i32
    %select_n3A_309 = arith.select %eq3A_307, %jit3A_308, %jit3A_305 : i32
    %rem3A_310 = vector.broadcast %select_n3A_309 : i32 to vector<16xi32>
    %rem3A_311 = arith.remsi %iota3A, %rem3A_310 : vector<16xi32>
    %ne3A_312 = arith.constant 0 : i32
    %ne3A_313 = vector.broadcast %ne3A_312 : i32 to vector<16xi32>
    %ne3A_314 = arith.cmpi ne, %rem3A_311, %ne3A_313 : vector<16xi32>
    %lt3A_315 = arith.constant 0 : i32
    %lt3A_316 = vector.broadcast %lt3A_315 : i32 to vector<16xi32>
    %lt3A_317 = arith.cmpi slt, %rem3A_311, %lt3A_316 : vector<16xi32>
    %lt3A_318 = arith.constant 0 : i32
    %lt3A_319 = arith.cmpi slt, %select_n3A_309, %lt3A_318 : i32
    %ne3A_320 = vector.broadcast %lt3A_319 : i1 to vector<16xi1>
    %ne3A_321 = vector.broadcast %ne3A_320 : vector<16xi1> to vector<16xi1>
    %ne3A_322 = arith.xori %lt3A_317, %ne3A_321 : vector<16xi1>
    %and3A_323 = arith.andi %ne3A_322, %ne3A_314 : vector<16xi1>
    %add3A_324 = vector.broadcast %select_n3A_309 : i32 to vector<16xi32>
    %add3A_325 = arith.addi %rem3A_311, %add3A_324 : vector<16xi32>
    %select_n3A_326 = arith.select %and3A_323, %add3A_325, %rem3A_311 : vector<16xi1>, vector<16xi32>
    %eq3A_327 = arith.constant 1 : i32
    %eq3A_328 = vector.broadcast %eq3A_327 : i32 to vector<16xi32>
    %eq3A_329 = arith.cmpi eq, %select_n3A_326, %eq3A_328 : vector<16xi32>
    %eq3A_330 = arith.constant 3 : i32
    %eq3A_331 = vector.broadcast %eq3A_330 : i32 to vector<16xi32>
    %eq3A_332 = arith.cmpi eq, %select_n3A_326, %eq3A_331 : vector<16xi32>
    %broadcast_in_dim3A_333 = arith.constant 1.000000e+00 : f32
    %broadcast_in_dim3A_334 = vector.broadcast %broadcast_in_dim3A_333 : f32 to vector<16xf32>
    %broadcast_in_dim3A_335 = arith.constant 0.000000e+00 : f32
    %broadcast_in_dim3A_336 = vector.broadcast %broadcast_in_dim3A_335 : f32 to vector<16xf32>
    %select_n3A_337 = arith.select %eq3A_332, %broadcast_in_dim3A_334, %broadcast_in_dim3A_336 : vector<16xi1>, vector<16xf32>
    %select_n3A_338 = arith.select %eq3A_329, %select_n3A_233, %select_n3A_337 : vector<16xi1>, vector<16xf32>
    %mul3A_339 = arith.constant 512 : i32
    %mul3A_340 = arith.muli %select_n3A, %mul3A_339 : i32
    %add3A_341 = vector.broadcast %mul3A_340 : i32 to vector<16xi32>
    %add3A_342 = arith.addi %add3A_341, %select_n3A_276 : vector<16xi32>
    %sub3A_343 = vector.broadcast %mul3A_2 : i32 to vector<16xi32>
    %sub3A_344 = arith.subi %add3A_342, %sub3A_343 : vector<16xi32>
    %jit3A_345 = arith.constant 0 : i32
    %jit3A_346 = arith.constant 127 : i32
    %max3A = vector.broadcast %jit3A_345 : i32 to vector<16xi32>
    %max3A_347 = arith.maxsi %max3A, %sub3A_344 : vector<16xi32>
    %min3A_348 = vector.broadcast %jit3A_346 : i32 to vector<16xi32>
    %min3A_349 = arith.minsi %min3A_348, %max3A_347 : vector<16xi32>
    %lt3A_350 = arith.constant 8 : i32
    %lt3A_351 = vector.broadcast %lt3A_350 : i32 to vector<16xi32>
    %lt3A_352 = arith.cmpi slt, %iota3A, %lt3A_351 : vector<16xi32>
    %and3A_353 = arith.andi %and3A_226, %lt3A_352 : vector<16xi1>
    %ge3A = vector.broadcast %mul3A_2 : i32 to vector<16xi32>
    %ge3A_354 = arith.cmpi sge, %add3A_342, %ge3A : vector<16xi32>
    %and3A_355 = arith.andi %and3A_353, %ge3A_354 : vector<16xi1>
    %add3A_356 = arith.constant 128 : i32
    %add3A_357 = arith.addi %mul3A_2, %add3A_356 : i32
    %lt3A_358 = vector.broadcast %add3A_357 : i32 to vector<16xi32>
    %lt3A_359 = arith.cmpi slt, %add3A_342, %lt3A_358 : vector<16xi32>
    %and3A_360 = arith.andi %and3A_355, %lt3A_359 : vector<16xi1>
    %dma_wait3A_361 = arith.constant 0 : i32
    %dma_wait3A_362 = arith.constant 0 : i32
    %dma_wait3A_363 = arith.constant 0 : i32
    %dma_wait3A_364 = tpu.memref_slice %arg5[%dma_wait3A_362, %dma_wait3A_363] : memref<128x512xf32, #tpu.memory_space<vmem>> -> memref<16x512xf32, #tpu.memory_space<vmem>>
    %dma_wait3A_365 = arith.constant 0 : i32
    %dma_wait3A_366 = tpu.memref_slice %arg2[%add3A_20, %dma_wait3A_365] : memref<4096x512xf32, #tpu.memory_space<hbm>> -> memref<16x512xf32, #tpu.memory_space<hbm>>
    %dma_wait3A_367 = tpu.memref_slice %arg9[%dma_wait3A_361] : memref<8x!tpu.dma_semaphore, #tpu.memory_space<semaphore_mem>> -> memref<1x!tpu.dma_semaphore, #tpu.memory_space<semaphore_mem>>
    %dma_wait3A_368 = tpu.memref_squeeze %dma_wait3A_367 : memref<1x!tpu.dma_semaphore, #tpu.memory_space<semaphore_mem>> -> memref<!tpu.dma_semaphore, #tpu.memory_space<semaphore_mem>>
    %dma_wait3A_369 = arith.constant 0 : i32
    %dma_wait3A_370 = arith.constant 0 : i32
    %dma_wait3A_371 = tpu.memref_slice %arg5[%dma_wait3A_369, %dma_wait3A_370] : memref<128x512xf32, #tpu.memory_space<vmem>> -> memref<16x512xf32, #tpu.memory_space<vmem>>
    %dma_wait3A_372 = arith.constant 0 : i32
    %dma_wait3A_373 = tpu.memref_slice %arg2[%add3A_20, %dma_wait3A_372] : memref<4096x512xf32, #tpu.memory_space<hbm>> -> memref<16x512xf32, #tpu.memory_space<hbm>>
    tpu.wait_dma2 semaphore(%dma_wait3A_368 : memref<!tpu.dma_semaphore, #tpu.memory_space<semaphore_mem>>) src(%dma_wait3A_373 : memref<16x512xf32, #tpu.memory_space<hbm>>) dst(%dma_wait3A_371 : memref<16x512xf32, #tpu.memory_space<vmem>>)
    %ge3A_374 = arith.constant 0 : i32
    %ge3A_375 = vector.broadcast %ge3A_374 : i32 to vector<16xi32>
    %ge3A_376 = arith.cmpi sge, %min3A_349, %ge3A_375 : vector<16xi32>
    %and3A_377 = arith.andi %and3A_360, %ge3A_376 : vector<16xi1>
    %lt3A_378 = arith.constant 16 : i32
    %lt3A_379 = vector.broadcast %lt3A_378 : i32 to vector<16xi32>
    %lt3A_380 = arith.cmpi slt, %min3A_349, %lt3A_379 : vector<16xi32>
    %and3A_381 = arith.andi %and3A_377, %lt3A_380 : vector<16xi1>
    tpu.vector_store_idx %arg5[%min3A_349, %select_n3A_304], %select_n3A_338 masked %and3A_381 : memref<128x512xf32, #tpu.memory_space<vmem>>[vector<16xi32>, vector<16xi32>], vector<16xf32>, vector<16xi1>
    %add3A_382 = arith.constant 0 : i32
    %add3A_383 = arith.addi %mul3A_2, %add3A_382 : i32
    %dma_start3A_384 = arith.constant 0 : i32
    %dma_start3A_385 = arith.constant 0 : i32
    %dma_start3A_386 = arith.constant 0 : i32
    %dma_start3A_387 = tpu.memref_slice %arg5[%dma_start3A_385, %dma_start3A_386] : memref<128x512xf32, #tpu.memory_space<vmem>> -> memref<16x512xf32, #tpu.memory_space<vmem>>
    %dma_start3A_388 = arith.constant 0 : i32
    %dma_start3A_389 = tpu.memref_slice %arg4[%add3A_383, %dma_start3A_388] : memref<4096x512xf32, #tpu.memory_space<hbm>> -> memref<16x512xf32, #tpu.memory_space<hbm>>
    %dma_start3A_390 = tpu.memref_slice %arg10[%dma_start3A_384] : memref<8x!tpu.dma_semaphore, #tpu.memory_space<semaphore_mem>> -> memref<1x!tpu.dma_semaphore, #tpu.memory_space<semaphore_mem>>
    %dma_start3A_391 = tpu.memref_squeeze %dma_start3A_390 : memref<1x!tpu.dma_semaphore, #tpu.memory_space<semaphore_mem>> -> memref<!tpu.dma_semaphore, #tpu.memory_space<semaphore_mem>>
    %dma_start3A_392 = arith.constant 0 : i32
    %dma_start3A_393 = tpu.memref_slice %arg4[%add3A_383, %dma_start3A_392] : memref<4096x512xf32, #tpu.memory_space<hbm>> -> memref<16x512xf32, #tpu.memory_space<hbm>>
    %dma_start3A_394 = arith.constant 0 : i32
    %dma_start3A_395 = arith.constant 0 : i32
    %dma_start3A_396 = tpu.memref_slice %arg5[%dma_start3A_394, %dma_start3A_395] : memref<128x512xf32, #tpu.memory_space<vmem>> -> memref<16x512xf32, #tpu.memory_space<vmem>>
    tpu.enqueue_dma source(%dma_start3A_396 : memref<16x512xf32, #tpu.memory_space<vmem>>) target(%dma_start3A_393 : memref<16x512xf32, #tpu.memory_space<hbm>>) target_semaphore(%dma_start3A_391 : memref<!tpu.dma_semaphore, #tpu.memory_space<semaphore_mem>>)
    %dma_wait3A_397 = arith.constant 1 : i32
    %dma_wait3A_398 = arith.constant 16 : i32
    %dma_wait3A_399 = arith.constant 0 : i32
    %dma_wait3A_400 = tpu.memref_slice %arg5[%dma_wait3A_398, %dma_wait3A_399] : memref<128x512xf32, #tpu.memory_space<vmem>> -> memref<16x512xf32, #tpu.memory_space<vmem>>
    %dma_wait3A_401 = arith.constant 0 : i32
    %dma_wait3A_402 = tpu.memref_slice %arg2[%add3A_34, %dma_wait3A_401] : memref<4096x512xf32, #tpu.memory_space<hbm>> -> memref<16x512xf32, #tpu.memory_space<hbm>>
    %dma_wait3A_403 = tpu.memref_slice %arg9[%dma_wait3A_397] : memref<8x!tpu.dma_semaphore, #tpu.memory_space<semaphore_mem>> -> memref<1x!tpu.dma_semaphore, #tpu.memory_space<semaphore_mem>>
    %dma_wait3A_404 = tpu.memref_squeeze %dma_wait3A_403 : memref<1x!tpu.dma_semaphore, #tpu.memory_space<semaphore_mem>> -> memref<!tpu.dma_semaphore, #tpu.memory_space<semaphore_mem>>
    %dma_wait3A_405 = arith.constant 16 : i32
    %dma_wait3A_406 = arith.constant 0 : i32
    %dma_wait3A_407 = tpu.memref_slice %arg5[%dma_wait3A_405, %dma_wait3A_406] : memref<128x512xf32, #tpu.memory_space<vmem>> -> memref<16x512xf32, #tpu.memory_space<vmem>>
    %dma_wait3A_408 = arith.constant 0 : i32
    %dma_wait3A_409 = tpu.memref_slice %arg2[%add3A_34, %dma_wait3A_408] : memref<4096x512xf32, #tpu.memory_space<hbm>> -> memref<16x512xf32, #tpu.memory_space<hbm>>
    tpu.wait_dma2 semaphore(%dma_wait3A_404 : memref<!tpu.dma_semaphore, #tpu.memory_space<semaphore_mem>>) src(%dma_wait3A_409 : memref<16x512xf32, #tpu.memory_space<hbm>>) dst(%dma_wait3A_407 : memref<16x512xf32, #tpu.memory_space<vmem>>)
    %ge3A_410 = arith.constant 16 : i32
    %ge3A_411 = vector.broadcast %ge3A_410 : i32 to vector<16xi32>
    %ge3A_412 = arith.cmpi sge, %min3A_349, %ge3A_411 : vector<16xi32>
    %and3A_413 = arith.andi %and3A_360, %ge3A_412 : vector<16xi1>
    %lt3A_414 = arith.constant 32 : i32
    %lt3A_415 = vector.broadcast %lt3A_414 : i32 to vector<16xi32>
    %lt3A_416 = arith.cmpi slt, %min3A_349, %lt3A_415 : vector<16xi32>
    %and3A_417 = arith.andi %and3A_413, %lt3A_416 : vector<16xi1>
    tpu.vector_store_idx %arg5[%min3A_349, %select_n3A_304], %select_n3A_338 masked %and3A_417 : memref<128x512xf32, #tpu.memory_space<vmem>>[vector<16xi32>, vector<16xi32>], vector<16xf32>, vector<16xi1>
    %add3A_418 = arith.constant 16 : i32
    %add3A_419 = arith.addi %mul3A_2, %add3A_418 : i32
    %dma_start3A_420 = arith.constant 1 : i32
    %dma_start3A_421 = arith.constant 16 : i32
    %dma_start3A_422 = arith.constant 0 : i32
    %dma_start3A_423 = tpu.memref_slice %arg5[%dma_start3A_421, %dma_start3A_422] : memref<128x512xf32, #tpu.memory_space<vmem>> -> memref<16x512xf32, #tpu.memory_space<vmem>>
    %dma_start3A_424 = arith.constant 0 : i32
    %dma_start3A_425 = tpu.memref_slice %arg4[%add3A_419, %dma_start3A_424] : memref<4096x512xf32, #tpu.memory_space<hbm>> -> memref<16x512xf32, #tpu.memory_space<hbm>>
    %dma_start3A_426 = tpu.memref_slice %arg10[%dma_start3A_420] : memref<8x!tpu.dma_semaphore, #tpu.memory_space<semaphore_mem>> -> memref<1x!tpu.dma_semaphore, #tpu.memory_space<semaphore_mem>>
    %dma_start3A_427 = tpu.memref_squeeze %dma_start3A_426 : memref<1x!tpu.dma_semaphore, #tpu.memory_space<semaphore_mem>> -> memref<!tpu.dma_semaphore, #tpu.memory_space<semaphore_mem>>
    %dma_start3A_428 = arith.constant 0 : i32
    %dma_start3A_429 = tpu.memref_slice %arg4[%add3A_419, %dma_start3A_428] : memref<4096x512xf32, #tpu.memory_space<hbm>> -> memref<16x512xf32, #tpu.memory_space<hbm>>
    %dma_start3A_430 = arith.constant 16 : i32
    %dma_start3A_431 = arith.constant 0 : i32
    %dma_start3A_432 = tpu.memref_slice %arg5[%dma_start3A_430, %dma_start3A_431] : memref<128x512xf32, #tpu.memory_space<vmem>> -> memref<16x512xf32, #tpu.memory_space<vmem>>
    tpu.enqueue_dma source(%dma_start3A_432 : memref<16x512xf32, #tpu.memory_space<vmem>>) target(%dma_start3A_429 : memref<16x512xf32, #tpu.memory_space<hbm>>) target_semaphore(%dma_start3A_427 : memref<!tpu.dma_semaphore, #tpu.memory_space<semaphore_mem>>)
    %dma_wait3A_433 = arith.constant 2 : i32
    %dma_wait3A_434 = arith.constant 32 : i32
    %dma_wait3A_435 = arith.constant 0 : i32
    %dma_wait3A_436 = tpu.memref_slice %arg5[%dma_wait3A_434, %dma_wait3A_435] : memref<128x512xf32, #tpu.memory_space<vmem>> -> memref<16x512xf32, #tpu.memory_space<vmem>>
    %dma_wait3A_437 = arith.constant 0 : i32
    %dma_wait3A_438 = tpu.memref_slice %arg2[%add3A_49, %dma_wait3A_437] : memref<4096x512xf32, #tpu.memory_space<hbm>> -> memref<16x512xf32, #tpu.memory_space<hbm>>
    %dma_wait3A_439 = tpu.memref_slice %arg9[%dma_wait3A_433] : memref<8x!tpu.dma_semaphore, #tpu.memory_space<semaphore_mem>> -> memref<1x!tpu.dma_semaphore, #tpu.memory_space<semaphore_mem>>
    %dma_wait3A_440 = tpu.memref_squeeze %dma_wait3A_439 : memref<1x!tpu.dma_semaphore, #tpu.memory_space<semaphore_mem>> -> memref<!tpu.dma_semaphore, #tpu.memory_space<semaphore_mem>>
    %dma_wait3A_441 = arith.constant 32 : i32
    %dma_wait3A_442 = arith.constant 0 : i32
    %dma_wait3A_443 = tpu.memref_slice %arg5[%dma_wait3A_441, %dma_wait3A_442] : memref<128x512xf32, #tpu.memory_space<vmem>> -> memref<16x512xf32, #tpu.memory_space<vmem>>
    %dma_wait3A_444 = arith.constant 0 : i32
    %dma_wait3A_445 = tpu.memref_slice %arg2[%add3A_49, %dma_wait3A_444] : memref<4096x512xf32, #tpu.memory_space<hbm>> -> memref<16x512xf32, #tpu.memory_space<hbm>>
    tpu.wait_dma2 semaphore(%dma_wait3A_440 : memref<!tpu.dma_semaphore, #tpu.memory_space<semaphore_mem>>) src(%dma_wait3A_445 : memref<16x512xf32, #tpu.memory_space<hbm>>) dst(%dma_wait3A_443 : memref<16x512xf32, #tpu.memory_space<vmem>>)
    %ge3A_446 = arith.constant 32 : i32
    %ge3A_447 = vector.broadcast %ge3A_446 : i32 to vector<16xi32>
    %ge3A_448 = arith.cmpi sge, %min3A_349, %ge3A_447 : vector<16xi32>
    %and3A_449 = arith.andi %and3A_360, %ge3A_448 : vector<16xi1>
    %lt3A_450 = arith.constant 48 : i32
    %lt3A_451 = vector.broadcast %lt3A_450 : i32 to vector<16xi32>
    %lt3A_452 = arith.cmpi slt, %min3A_349, %lt3A_451 : vector<16xi32>
    %and3A_453 = arith.andi %and3A_449, %lt3A_452 : vector<16xi1>
    tpu.vector_store_idx %arg5[%min3A_349, %select_n3A_304], %select_n3A_338 masked %and3A_453 : memref<128x512xf32, #tpu.memory_space<vmem>>[vector<16xi32>, vector<16xi32>], vector<16xf32>, vector<16xi1>
    %add3A_454 = arith.constant 32 : i32
    %add3A_455 = arith.addi %mul3A_2, %add3A_454 : i32
    %dma_start3A_456 = arith.constant 2 : i32
    %dma_start3A_457 = arith.constant 32 : i32
    %dma_start3A_458 = arith.constant 0 : i32
    %dma_start3A_459 = tpu.memref_slice %arg5[%dma_start3A_457, %dma_start3A_458] : memref<128x512xf32, #tpu.memory_space<vmem>> -> memref<16x512xf32, #tpu.memory_space<vmem>>
    %dma_start3A_460 = arith.constant 0 : i32
    %dma_start3A_461 = tpu.memref_slice %arg4[%add3A_455, %dma_start3A_460] : memref<4096x512xf32, #tpu.memory_space<hbm>> -> memref<16x512xf32, #tpu.memory_space<hbm>>
    %dma_start3A_462 = tpu.memref_slice %arg10[%dma_start3A_456] : memref<8x!tpu.dma_semaphore, #tpu.memory_space<semaphore_mem>> -> memref<1x!tpu.dma_semaphore, #tpu.memory_space<semaphore_mem>>
    %dma_start3A_463 = tpu.memref_squeeze %dma_start3A_462 : memref<1x!tpu.dma_semaphore, #tpu.memory_space<semaphore_mem>> -> memref<!tpu.dma_semaphore, #tpu.memory_space<semaphore_mem>>
    %dma_start3A_464 = arith.constant 0 : i32
    %dma_start3A_465 = tpu.memref_slice %arg4[%add3A_455, %dma_start3A_464] : memref<4096x512xf32, #tpu.memory_space<hbm>> -> memref<16x512xf32, #tpu.memory_space<hbm>>
    %dma_start3A_466 = arith.constant 32 : i32
    %dma_start3A_467 = arith.constant 0 : i32
    %dma_start3A_468 = tpu.memref_slice %arg5[%dma_start3A_466, %dma_start3A_467] : memref<128x512xf32, #tpu.memory_space<vmem>> -> memref<16x512xf32, #tpu.memory_space<vmem>>
    tpu.enqueue_dma source(%dma_start3A_468 : memref<16x512xf32, #tpu.memory_space<vmem>>) target(%dma_start3A_465 : memref<16x512xf32, #tpu.memory_space<hbm>>) target_semaphore(%dma_start3A_463 : memref<!tpu.dma_semaphore, #tpu.memory_space<semaphore_mem>>)
    %dma_wait3A_469 = arith.constant 3 : i32
    %dma_wait3A_470 = arith.constant 48 : i32
    %dma_wait3A_471 = arith.constant 0 : i32
    %dma_wait3A_472 = tpu.memref_slice %arg5[%dma_wait3A_470, %dma_wait3A_471] : memref<128x512xf32, #tpu.memory_space<vmem>> -> memref<16x512xf32, #tpu.memory_space<vmem>>
    %dma_wait3A_473 = arith.constant 0 : i32
    %dma_wait3A_474 = tpu.memref_slice %arg2[%add3A_64, %dma_wait3A_473] : memref<4096x512xf32, #tpu.memory_space<hbm>> -> memref<16x512xf32, #tpu.memory_space<hbm>>
    %dma_wait3A_475 = tpu.memref_slice %arg9[%dma_wait3A_469] : memref<8x!tpu.dma_semaphore, #tpu.memory_space<semaphore_mem>> -> memref<1x!tpu.dma_semaphore, #tpu.memory_space<semaphore_mem>>
    %dma_wait3A_476 = tpu.memref_squeeze %dma_wait3A_475 : memref<1x!tpu.dma_semaphore, #tpu.memory_space<semaphore_mem>> -> memref<!tpu.dma_semaphore, #tpu.memory_space<semaphore_mem>>
    %dma_wait3A_477 = arith.constant 48 : i32
    %dma_wait3A_478 = arith.constant 0 : i32
    %dma_wait3A_479 = tpu.memref_slice %arg5[%dma_wait3A_477, %dma_wait3A_478] : memref<128x512xf32, #tpu.memory_space<vmem>> -> memref<16x512xf32, #tpu.memory_space<vmem>>
    %dma_wait3A_480 = arith.constant 0 : i32
    %dma_wait3A_481 = tpu.memref_slice %arg2[%add3A_64, %dma_wait3A_480] : memref<4096x512xf32, #tpu.memory_space<hbm>> -> memref<16x512xf32, #tpu.memory_space<hbm>>
    tpu.wait_dma2 semaphore(%dma_wait3A_476 : memref<!tpu.dma_semaphore, #tpu.memory_space<semaphore_mem>>) src(%dma_wait3A_481 : memref<16x512xf32, #tpu.memory_space<hbm>>) dst(%dma_wait3A_479 : memref<16x512xf32, #tpu.memory_space<vmem>>)
    %ge3A_482 = arith.constant 48 : i32
    %ge3A_483 = vector.broadcast %ge3A_482 : i32 to vector<16xi32>
    %ge3A_484 = arith.cmpi sge, %min3A_349, %ge3A_483 : vector<16xi32>
    %and3A_485 = arith.andi %and3A_360, %ge3A_484 : vector<16xi1>
    %lt3A_486 = arith.constant 64 : i32
    %lt3A_487 = vector.broadcast %lt3A_486 : i32 to vector<16xi32>
    %lt3A_488 = arith.cmpi slt, %min3A_349, %lt3A_487 : vector<16xi32>
    %and3A_489 = arith.andi %and3A_485, %lt3A_488 : vector<16xi1>
    tpu.vector_store_idx %arg5[%min3A_349, %select_n3A_304], %select_n3A_338 masked %and3A_489 : memref<128x512xf32, #tpu.memory_space<vmem>>[vector<16xi32>, vector<16xi32>], vector<16xf32>, vector<16xi1>
    %add3A_490 = arith.constant 48 : i32
    %add3A_491 = arith.addi %mul3A_2, %add3A_490 : i32
    %dma_start3A_492 = arith.constant 3 : i32
    %dma_start3A_493 = arith.constant 48 : i32
    %dma_start3A_494 = arith.constant 0 : i32
    %dma_start3A_495 = tpu.memref_slice %arg5[%dma_start3A_493, %dma_start3A_494] : memref<128x512xf32, #tpu.memory_space<vmem>> -> memref<16x512xf32, #tpu.memory_space<vmem>>
    %dma_start3A_496 = arith.constant 0 : i32
    %dma_start3A_497 = tpu.memref_slice %arg4[%add3A_491, %dma_start3A_496] : memref<4096x512xf32, #tpu.memory_space<hbm>> -> memref<16x512xf32, #tpu.memory_space<hbm>>
    %dma_start3A_498 = tpu.memref_slice %arg10[%dma_start3A_492] : memref<8x!tpu.dma_semaphore, #tpu.memory_space<semaphore_mem>> -> memref<1x!tpu.dma_semaphore, #tpu.memory_space<semaphore_mem>>
    %dma_start3A_499 = tpu.memref_squeeze %dma_start3A_498 : memref<1x!tpu.dma_semaphore, #tpu.memory_space<semaphore_mem>> -> memref<!tpu.dma_semaphore, #tpu.memory_space<semaphore_mem>>
    %dma_start3A_500 = arith.constant 0 : i32
    %dma_start3A_501 = tpu.memref_slice %arg4[%add3A_491, %dma_start3A_500] : memref<4096x512xf32, #tpu.memory_space<hbm>> -> memref<16x512xf32, #tpu.memory_space<hbm>>
    %dma_start3A_502 = arith.constant 48 : i32
    %dma_start3A_503 = arith.constant 0 : i32
    %dma_start3A_504 = tpu.memref_slice %arg5[%dma_start3A_502, %dma_start3A_503] : memref<128x512xf32, #tpu.memory_space<vmem>> -> memref<16x512xf32, #tpu.memory_space<vmem>>
    tpu.enqueue_dma source(%dma_start3A_504 : memref<16x512xf32, #tpu.memory_space<vmem>>) target(%dma_start3A_501 : memref<16x512xf32, #tpu.memory_space<hbm>>) target_semaphore(%dma_start3A_499 : memref<!tpu.dma_semaphore, #tpu.memory_space<semaphore_mem>>)
    %dma_wait3A_505 = arith.constant 4 : i32
    %dma_wait3A_506 = arith.constant 64 : i32
    %dma_wait3A_507 = arith.constant 0 : i32
    %dma_wait3A_508 = tpu.memref_slice %arg5[%dma_wait3A_506, %dma_wait3A_507] : memref<128x512xf32, #tpu.memory_space<vmem>> -> memref<16x512xf32, #tpu.memory_space<vmem>>
    %dma_wait3A_509 = arith.constant 0 : i32
    %dma_wait3A_510 = tpu.memref_slice %arg2[%add3A_79, %dma_wait3A_509] : memref<4096x512xf32, #tpu.memory_space<hbm>> -> memref<16x512xf32, #tpu.memory_space<hbm>>
    %dma_wait3A_511 = tpu.memref_slice %arg9[%dma_wait3A_505] : memref<8x!tpu.dma_semaphore, #tpu.memory_space<semaphore_mem>> -> memref<1x!tpu.dma_semaphore, #tpu.memory_space<semaphore_mem>>
    %dma_wait3A_512 = tpu.memref_squeeze %dma_wait3A_511 : memref<1x!tpu.dma_semaphore, #tpu.memory_space<semaphore_mem>> -> memref<!tpu.dma_semaphore, #tpu.memory_space<semaphore_mem>>
    %dma_wait3A_513 = arith.constant 64 : i32
    %dma_wait3A_514 = arith.constant 0 : i32
    %dma_wait3A_515 = tpu.memref_slice %arg5[%dma_wait3A_513, %dma_wait3A_514] : memref<128x512xf32, #tpu.memory_space<vmem>> -> memref<16x512xf32, #tpu.memory_space<vmem>>
    %dma_wait3A_516 = arith.constant 0 : i32
    %dma_wait3A_517 = tpu.memref_slice %arg2[%add3A_79, %dma_wait3A_516] : memref<4096x512xf32, #tpu.memory_space<hbm>> -> memref<16x512xf32, #tpu.memory_space<hbm>>
    tpu.wait_dma2 semaphore(%dma_wait3A_512 : memref<!tpu.dma_semaphore, #tpu.memory_space<semaphore_mem>>) src(%dma_wait3A_517 : memref<16x512xf32, #tpu.memory_space<hbm>>) dst(%dma_wait3A_515 : memref<16x512xf32, #tpu.memory_space<vmem>>)
    %ge3A_518 = arith.constant 64 : i32
    %ge3A_519 = vector.broadcast %ge3A_518 : i32 to vector<16xi32>
    %ge3A_520 = arith.cmpi sge, %min3A_349, %ge3A_519 : vector<16xi32>
    %and3A_521 = arith.andi %and3A_360, %ge3A_520 : vector<16xi1>
    %lt3A_522 = arith.constant 80 : i32
    %lt3A_523 = vector.broadcast %lt3A_522 : i32 to vector<16xi32>
    %lt3A_524 = arith.cmpi slt, %min3A_349, %lt3A_523 : vector<16xi32>
    %and3A_525 = arith.andi %and3A_521, %lt3A_524 : vector<16xi1>
    tpu.vector_store_idx %arg5[%min3A_349, %select_n3A_304], %select_n3A_338 masked %and3A_525 : memref<128x512xf32, #tpu.memory_space<vmem>>[vector<16xi32>, vector<16xi32>], vector<16xf32>, vector<16xi1>
    %add3A_526 = arith.constant 64 : i32
    %add3A_527 = arith.addi %mul3A_2, %add3A_526 : i32
    %dma_start3A_528 = arith.constant 4 : i32
    %dma_start3A_529 = arith.constant 64 : i32
    %dma_start3A_530 = arith.constant 0 : i32
    %dma_start3A_531 = tpu.memref_slice %arg5[%dma_start3A_529, %dma_start3A_530] : memref<128x512xf32, #tpu.memory_space<vmem>> -> memref<16x512xf32, #tpu.memory_space<vmem>>
    %dma_start3A_532 = arith.constant 0 : i32
    %dma_start3A_533 = tpu.memref_slice %arg4[%add3A_527, %dma_start3A_532] : memref<4096x512xf32, #tpu.memory_space<hbm>> -> memref<16x512xf32, #tpu.memory_space<hbm>>
    %dma_start3A_534 = tpu.memref_slice %arg10[%dma_start3A_528] : memref<8x!tpu.dma_semaphore, #tpu.memory_space<semaphore_mem>> -> memref<1x!tpu.dma_semaphore, #tpu.memory_space<semaphore_mem>>
    %dma_start3A_535 = tpu.memref_squeeze %dma_start3A_534 : memref<1x!tpu.dma_semaphore, #tpu.memory_space<semaphore_mem>> -> memref<!tpu.dma_semaphore, #tpu.memory_space<semaphore_mem>>
    %dma_start3A_536 = arith.constant 0 : i32
    %dma_start3A_537 = tpu.memref_slice %arg4[%add3A_527, %dma_start3A_536] : memref<4096x512xf32, #tpu.memory_space<hbm>> -> memref<16x512xf32, #tpu.memory_space<hbm>>
    %dma_start3A_538 = arith.constant 64 : i32
    %dma_start3A_539 = arith.constant 0 : i32
    %dma_start3A_540 = tpu.memref_slice %arg5[%dma_start3A_538, %dma_start3A_539] : memref<128x512xf32, #tpu.memory_space<vmem>> -> memref<16x512xf32, #tpu.memory_space<vmem>>
    tpu.enqueue_dma source(%dma_start3A_540 : memref<16x512xf32, #tpu.memory_space<vmem>>) target(%dma_start3A_537 : memref<16x512xf32, #tpu.memory_space<hbm>>) target_semaphore(%dma_start3A_535 : memref<!tpu.dma_semaphore, #tpu.memory_space<semaphore_mem>>)
    %dma_wait3A_541 = arith.constant 5 : i32
    %dma_wait3A_542 = arith.constant 80 : i32
    %dma_wait3A_543 = arith.constant 0 : i32
    %dma_wait3A_544 = tpu.memref_slice %arg5[%dma_wait3A_542, %dma_wait3A_543] : memref<128x512xf32, #tpu.memory_space<vmem>> -> memref<16x512xf32, #tpu.memory_space<vmem>>
    %dma_wait3A_545 = arith.constant 0 : i32
    %dma_wait3A_546 = tpu.memref_slice %arg2[%add3A_94, %dma_wait3A_545] : memref<4096x512xf32, #tpu.memory_space<hbm>> -> memref<16x512xf32, #tpu.memory_space<hbm>>
    %dma_wait3A_547 = tpu.memref_slice %arg9[%dma_wait3A_541] : memref<8x!tpu.dma_semaphore, #tpu.memory_space<semaphore_mem>> -> memref<1x!tpu.dma_semaphore, #tpu.memory_space<semaphore_mem>>
    %dma_wait3A_548 = tpu.memref_squeeze %dma_wait3A_547 : memref<1x!tpu.dma_semaphore, #tpu.memory_space<semaphore_mem>> -> memref<!tpu.dma_semaphore, #tpu.memory_space<semaphore_mem>>
    %dma_wait3A_549 = arith.constant 80 : i32
    %dma_wait3A_550 = arith.constant 0 : i32
    %dma_wait3A_551 = tpu.memref_slice %arg5[%dma_wait3A_549, %dma_wait3A_550] : memref<128x512xf32, #tpu.memory_space<vmem>> -> memref<16x512xf32, #tpu.memory_space<vmem>>
    %dma_wait3A_552 = arith.constant 0 : i32
    %dma_wait3A_553 = tpu.memref_slice %arg2[%add3A_94, %dma_wait3A_552] : memref<4096x512xf32, #tpu.memory_space<hbm>> -> memref<16x512xf32, #tpu.memory_space<hbm>>
    tpu.wait_dma2 semaphore(%dma_wait3A_548 : memref<!tpu.dma_semaphore, #tpu.memory_space<semaphore_mem>>) src(%dma_wait3A_553 : memref<16x512xf32, #tpu.memory_space<hbm>>) dst(%dma_wait3A_551 : memref<16x512xf32, #tpu.memory_space<vmem>>)
    %ge3A_554 = arith.constant 80 : i32
    %ge3A_555 = vector.broadcast %ge3A_554 : i32 to vector<16xi32>
    %ge3A_556 = arith.cmpi sge, %min3A_349, %ge3A_555 : vector<16xi32>
    %and3A_557 = arith.andi %and3A_360, %ge3A_556 : vector<16xi1>
    %lt3A_558 = arith.constant 96 : i32
    %lt3A_559 = vector.broadcast %lt3A_558 : i32 to vector<16xi32>
    %lt3A_560 = arith.cmpi slt, %min3A_349, %lt3A_559 : vector<16xi32>
    %and3A_561 = arith.andi %and3A_557, %lt3A_560 : vector<16xi1>
    tpu.vector_store_idx %arg5[%min3A_349, %select_n3A_304], %select_n3A_338 masked %and3A_561 : memref<128x512xf32, #tpu.memory_space<vmem>>[vector<16xi32>, vector<16xi32>], vector<16xf32>, vector<16xi1>
    %add3A_562 = arith.constant 80 : i32
    %add3A_563 = arith.addi %mul3A_2, %add3A_562 : i32
    %dma_start3A_564 = arith.constant 5 : i32
    %dma_start3A_565 = arith.constant 80 : i32
    %dma_start3A_566 = arith.constant 0 : i32
    %dma_start3A_567 = tpu.memref_slice %arg5[%dma_start3A_565, %dma_start3A_566] : memref<128x512xf32, #tpu.memory_space<vmem>> -> memref<16x512xf32, #tpu.memory_space<vmem>>
    %dma_start3A_568 = arith.constant 0 : i32
    %dma_start3A_569 = tpu.memref_slice %arg4[%add3A_563, %dma_start3A_568] : memref<4096x512xf32, #tpu.memory_space<hbm>> -> memref<16x512xf32, #tpu.memory_space<hbm>>
    %dma_start3A_570 = tpu.memref_slice %arg10[%dma_start3A_564] : memref<8x!tpu.dma_semaphore, #tpu.memory_space<semaphore_mem>> -> memref<1x!tpu.dma_semaphore, #tpu.memory_space<semaphore_mem>>
    %dma_start3A_571 = tpu.memref_squeeze %dma_start3A_570 : memref<1x!tpu.dma_semaphore, #tpu.memory_space<semaphore_mem>> -> memref<!tpu.dma_semaphore, #tpu.memory_space<semaphore_mem>>
    %dma_start3A_572 = arith.constant 0 : i32
    %dma_start3A_573 = tpu.memref_slice %arg4[%add3A_563, %dma_start3A_572] : memref<4096x512xf32, #tpu.memory_space<hbm>> -> memref<16x512xf32, #tpu.memory_space<hbm>>
    %dma_start3A_574 = arith.constant 80 : i32
    %dma_start3A_575 = arith.constant 0 : i32
    %dma_start3A_576 = tpu.memref_slice %arg5[%dma_start3A_574, %dma_start3A_575] : memref<128x512xf32, #tpu.memory_space<vmem>> -> memref<16x512xf32, #tpu.memory_space<vmem>>
    tpu.enqueue_dma source(%dma_start3A_576 : memref<16x512xf32, #tpu.memory_space<vmem>>) target(%dma_start3A_573 : memref<16x512xf32, #tpu.memory_space<hbm>>) target_semaphore(%dma_start3A_571 : memref<!tpu.dma_semaphore, #tpu.memory_space<semaphore_mem>>)
    %dma_wait3A_577 = arith.constant 6 : i32
    %dma_wait3A_578 = arith.constant 96 : i32
    %dma_wait3A_579 = arith.constant 0 : i32
    %dma_wait3A_580 = tpu.memref_slice %arg5[%dma_wait3A_578, %dma_wait3A_579] : memref<128x512xf32, #tpu.memory_space<vmem>> -> memref<16x512xf32, #tpu.memory_space<vmem>>
    %dma_wait3A_581 = arith.constant 0 : i32
    %dma_wait3A_582 = tpu.memref_slice %arg2[%add3A_109, %dma_wait3A_581] : memref<4096x512xf32, #tpu.memory_space<hbm>> -> memref<16x512xf32, #tpu.memory_space<hbm>>
    %dma_wait3A_583 = tpu.memref_slice %arg9[%dma_wait3A_577] : memref<8x!tpu.dma_semaphore, #tpu.memory_space<semaphore_mem>> -> memref<1x!tpu.dma_semaphore, #tpu.memory_space<semaphore_mem>>
    %dma_wait3A_584 = tpu.memref_squeeze %dma_wait3A_583 : memref<1x!tpu.dma_semaphore, #tpu.memory_space<semaphore_mem>> -> memref<!tpu.dma_semaphore, #tpu.memory_space<semaphore_mem>>
    %dma_wait3A_585 = arith.constant 96 : i32
    %dma_wait3A_586 = arith.constant 0 : i32
    %dma_wait3A_587 = tpu.memref_slice %arg5[%dma_wait3A_585, %dma_wait3A_586] : memref<128x512xf32, #tpu.memory_space<vmem>> -> memref<16x512xf32, #tpu.memory_space<vmem>>
    %dma_wait3A_588 = arith.constant 0 : i32
    %dma_wait3A_589 = tpu.memref_slice %arg2[%add3A_109, %dma_wait3A_588] : memref<4096x512xf32, #tpu.memory_space<hbm>> -> memref<16x512xf32, #tpu.memory_space<hbm>>
    tpu.wait_dma2 semaphore(%dma_wait3A_584 : memref<!tpu.dma_semaphore, #tpu.memory_space<semaphore_mem>>) src(%dma_wait3A_589 : memref<16x512xf32, #tpu.memory_space<hbm>>) dst(%dma_wait3A_587 : memref<16x512xf32, #tpu.memory_space<vmem>>)
    %ge3A_590 = arith.constant 96 : i32
    %ge3A_591 = vector.broadcast %ge3A_590 : i32 to vector<16xi32>
    %ge3A_592 = arith.cmpi sge, %min3A_349, %ge3A_591 : vector<16xi32>
    %and3A_593 = arith.andi %and3A_360, %ge3A_592 : vector<16xi1>
    %lt3A_594 = arith.constant 112 : i32
    %lt3A_595 = vector.broadcast %lt3A_594 : i32 to vector<16xi32>
    %lt3A_596 = arith.cmpi slt, %min3A_349, %lt3A_595 : vector<16xi32>
    %and3A_597 = arith.andi %and3A_593, %lt3A_596 : vector<16xi1>
    tpu.vector_store_idx %arg5[%min3A_349, %select_n3A_304], %select_n3A_338 masked %and3A_597 : memref<128x512xf32, #tpu.memory_space<vmem>>[vector<16xi32>, vector<16xi32>], vector<16xf32>, vector<16xi1>
    %add3A_598 = arith.constant 96 : i32
    %add3A_599 = arith.addi %mul3A_2, %add3A_598 : i32
    %dma_start3A_600 = arith.constant 6 : i32
    %dma_start3A_601 = arith.constant 96 : i32
    %dma_start3A_602 = arith.constant 0 : i32
    %dma_start3A_603 = tpu.memref_slice %arg5[%dma_start3A_601, %dma_start3A_602] : memref<128x512xf32, #tpu.memory_space<vmem>> -> memref<16x512xf32, #tpu.memory_space<vmem>>
    %dma_start3A_604 = arith.constant 0 : i32
    %dma_start3A_605 = tpu.memref_slice %arg4[%add3A_599, %dma_start3A_604] : memref<4096x512xf32, #tpu.memory_space<hbm>> -> memref<16x512xf32, #tpu.memory_space<hbm>>
    %dma_start3A_606 = tpu.memref_slice %arg10[%dma_start3A_600] : memref<8x!tpu.dma_semaphore, #tpu.memory_space<semaphore_mem>> -> memref<1x!tpu.dma_semaphore, #tpu.memory_space<semaphore_mem>>
    %dma_start3A_607 = tpu.memref_squeeze %dma_start3A_606 : memref<1x!tpu.dma_semaphore, #tpu.memory_space<semaphore_mem>> -> memref<!tpu.dma_semaphore, #tpu.memory_space<semaphore_mem>>
    %dma_start3A_608 = arith.constant 0 : i32
    %dma_start3A_609 = tpu.memref_slice %arg4[%add3A_599, %dma_start3A_608] : memref<4096x512xf32, #tpu.memory_space<hbm>> -> memref<16x512xf32, #tpu.memory_space<hbm>>
    %dma_start3A_610 = arith.constant 96 : i32
    %dma_start3A_611 = arith.constant 0 : i32
    %dma_start3A_612 = tpu.memref_slice %arg5[%dma_start3A_610, %dma_start3A_611] : memref<128x512xf32, #tpu.memory_space<vmem>> -> memref<16x512xf32, #tpu.memory_space<vmem>>
    tpu.enqueue_dma source(%dma_start3A_612 : memref<16x512xf32, #tpu.memory_space<vmem>>) target(%dma_start3A_609 : memref<16x512xf32, #tpu.memory_space<hbm>>) target_semaphore(%dma_start3A_607 : memref<!tpu.dma_semaphore, #tpu.memory_space<semaphore_mem>>)
    %dma_wait3A_613 = arith.constant 7 : i32
    %dma_wait3A_614 = arith.constant 112 : i32
    %dma_wait3A_615 = arith.constant 0 : i32
    %dma_wait3A_616 = tpu.memref_slice %arg5[%dma_wait3A_614, %dma_wait3A_615] : memref<128x512xf32, #tpu.memory_space<vmem>> -> memref<16x512xf32, #tpu.memory_space<vmem>>
    %dma_wait3A_617 = arith.constant 0 : i32
    %dma_wait3A_618 = tpu.memref_slice %arg2[%add3A_124, %dma_wait3A_617] : memref<4096x512xf32, #tpu.memory_space<hbm>> -> memref<16x512xf32, #tpu.memory_space<hbm>>
    %dma_wait3A_619 = tpu.memref_slice %arg9[%dma_wait3A_613] : memref<8x!tpu.dma_semaphore, #tpu.memory_space<semaphore_mem>> -> memref<1x!tpu.dma_semaphore, #tpu.memory_space<semaphore_mem>>
    %dma_wait3A_620 = tpu.memref_squeeze %dma_wait3A_619 : memref<1x!tpu.dma_semaphore, #tpu.memory_space<semaphore_mem>> -> memref<!tpu.dma_semaphore, #tpu.memory_space<semaphore_mem>>
    %dma_wait3A_621 = arith.constant 112 : i32
    %dma_wait3A_622 = arith.constant 0 : i32
    %dma_wait3A_623 = tpu.memref_slice %arg5[%dma_wait3A_621, %dma_wait3A_622] : memref<128x512xf32, #tpu.memory_space<vmem>> -> memref<16x512xf32, #tpu.memory_space<vmem>>
    %dma_wait3A_624 = arith.constant 0 : i32
    %dma_wait3A_625 = tpu.memref_slice %arg2[%add3A_124, %dma_wait3A_624] : memref<4096x512xf32, #tpu.memory_space<hbm>> -> memref<16x512xf32, #tpu.memory_space<hbm>>
    tpu.wait_dma2 semaphore(%dma_wait3A_620 : memref<!tpu.dma_semaphore, #tpu.memory_space<semaphore_mem>>) src(%dma_wait3A_625 : memref<16x512xf32, #tpu.memory_space<hbm>>) dst(%dma_wait3A_623 : memref<16x512xf32, #tpu.memory_space<vmem>>)
    %ge3A_626 = arith.constant 112 : i32
    %ge3A_627 = vector.broadcast %ge3A_626 : i32 to vector<16xi32>
    %ge3A_628 = arith.cmpi sge, %min3A_349, %ge3A_627 : vector<16xi32>
    %and3A_629 = arith.andi %and3A_360, %ge3A_628 : vector<16xi1>
    %lt3A_630 = arith.constant 128 : i32
    %lt3A_631 = vector.broadcast %lt3A_630 : i32 to vector<16xi32>
    %lt3A_632 = arith.cmpi slt, %min3A_349, %lt3A_631 : vector<16xi32>
    %and3A_633 = arith.andi %and3A_629, %lt3A_632 : vector<16xi1>
    tpu.vector_store_idx %arg5[%min3A_349, %select_n3A_304], %select_n3A_338 masked %and3A_633 : memref<128x512xf32, #tpu.memory_space<vmem>>[vector<16xi32>, vector<16xi32>], vector<16xf32>, vector<16xi1>
    %add3A_634 = arith.constant 112 : i32
    %add3A_635 = arith.addi %mul3A_2, %add3A_634 : i32
    %dma_start3A_636 = arith.constant 7 : i32
    %dma_start3A_637 = arith.constant 112 : i32
    %dma_start3A_638 = arith.constant 0 : i32
    %dma_start3A_639 = tpu.memref_slice %arg5[%dma_start3A_637, %dma_start3A_638] : memref<128x512xf32, #tpu.memory_space<vmem>> -> memref<16x512xf32, #tpu.memory_space<vmem>>
    %dma_start3A_640 = arith.constant 0 : i32
    %dma_start3A_641 = tpu.memref_slice %arg4[%add3A_635, %dma_start3A_640] : memref<4096x512xf32, #tpu.memory_space<hbm>> -> memref<16x512xf32, #tpu.memory_space<hbm>>
    %dma_start3A_642 = tpu.memref_slice %arg10[%dma_start3A_636] : memref<8x!tpu.dma_semaphore, #tpu.memory_space<semaphore_mem>> -> memref<1x!tpu.dma_semaphore, #tpu.memory_space<semaphore_mem>>
    %dma_start3A_643 = tpu.memref_squeeze %dma_start3A_642 : memref<1x!tpu.dma_semaphore, #tpu.memory_space<semaphore_mem>> -> memref<!tpu.dma_semaphore, #tpu.memory_space<semaphore_mem>>
    %dma_start3A_644 = arith.constant 0 : i32
    %dma_start3A_645 = tpu.memref_slice %arg4[%add3A_635, %dma_start3A_644] : memref<4096x512xf32, #tpu.memory_space<hbm>> -> memref<16x512xf32, #tpu.memory_space<hbm>>
    %dma_start3A_646 = arith.constant 112 : i32
    %dma_start3A_647 = arith.constant 0 : i32
    %dma_start3A_648 = tpu.memref_slice %arg5[%dma_start3A_646, %dma_start3A_647] : memref<128x512xf32, #tpu.memory_space<vmem>> -> memref<16x512xf32, #tpu.memory_space<vmem>>
    tpu.enqueue_dma source(%dma_start3A_648 : memref<16x512xf32, #tpu.memory_space<vmem>>) target(%dma_start3A_645 : memref<16x512xf32, #tpu.memory_space<hbm>>) target_semaphore(%dma_start3A_643 : memref<!tpu.dma_semaphore, #tpu.memory_space<semaphore_mem>>)
    %dma_wait3A_649 = arith.constant 0 : i32
    %dma_wait3A_650 = arith.constant 0 : i32
    %dma_wait3A_651 = arith.constant 0 : i32
    %dma_wait3A_652 = tpu.memref_slice %arg5[%dma_wait3A_650, %dma_wait3A_651] : memref<128x512xf32, #tpu.memory_space<vmem>> -> memref<16x512xf32, #tpu.memory_space<vmem>>
    %dma_wait3A_653 = arith.constant 0 : i32
    %dma_wait3A_654 = tpu.memref_slice %arg4[%add3A_383, %dma_wait3A_653] : memref<4096x512xf32, #tpu.memory_space<hbm>> -> memref<16x512xf32, #tpu.memory_space<hbm>>
    %dma_wait3A_655 = tpu.memref_slice %arg10[%dma_wait3A_649] : memref<8x!tpu.dma_semaphore, #tpu.memory_space<semaphore_mem>> -> memref<1x!tpu.dma_semaphore, #tpu.memory_space<semaphore_mem>>
    %dma_wait3A_656 = tpu.memref_squeeze %dma_wait3A_655 : memref<1x!tpu.dma_semaphore, #tpu.memory_space<semaphore_mem>> -> memref<!tpu.dma_semaphore, #tpu.memory_space<semaphore_mem>>
    %dma_wait3A_657 = arith.constant 0 : i32
    %dma_wait3A_658 = tpu.memref_slice %arg4[%add3A_383, %dma_wait3A_657] : memref<4096x512xf32, #tpu.memory_space<hbm>> -> memref<16x512xf32, #tpu.memory_space<hbm>>
    %dma_wait3A_659 = arith.constant 0 : i32
    %dma_wait3A_660 = arith.constant 0 : i32
    %dma_wait3A_661 = tpu.memref_slice %arg5[%dma_wait3A_659, %dma_wait3A_660] : memref<128x512xf32, #tpu.memory_space<vmem>> -> memref<16x512xf32, #tpu.memory_space<vmem>>
    tpu.wait_dma2 semaphore(%dma_wait3A_656 : memref<!tpu.dma_semaphore, #tpu.memory_space<semaphore_mem>>) src(%dma_wait3A_661 : memref<16x512xf32, #tpu.memory_space<vmem>>) dst(%dma_wait3A_658 : memref<16x512xf32, #tpu.memory_space<hbm>>)
    %dma_wait3A_662 = arith.constant 1 : i32
    %dma_wait3A_663 = arith.constant 16 : i32
    %dma_wait3A_664 = arith.constant 0 : i32
    %dma_wait3A_665 = tpu.memref_slice %arg5[%dma_wait3A_663, %dma_wait3A_664] : memref<128x512xf32, #tpu.memory_space<vmem>> -> memref<16x512xf32, #tpu.memory_space<vmem>>
    %dma_wait3A_666 = arith.constant 0 : i32
    %dma_wait3A_667 = tpu.memref_slice %arg4[%add3A_419, %dma_wait3A_666] : memref<4096x512xf32, #tpu.memory_space<hbm>> -> memref<16x512xf32, #tpu.memory_space<hbm>>
    %dma_wait3A_668 = tpu.memref_slice %arg10[%dma_wait3A_662] : memref<8x!tpu.dma_semaphore, #tpu.memory_space<semaphore_mem>> -> memref<1x!tpu.dma_semaphore, #tpu.memory_space<semaphore_mem>>
    %dma_wait3A_669 = tpu.memref_squeeze %dma_wait3A_668 : memref<1x!tpu.dma_semaphore, #tpu.memory_space<semaphore_mem>> -> memref<!tpu.dma_semaphore, #tpu.memory_space<semaphore_mem>>
    %dma_wait3A_670 = arith.constant 0 : i32
    %dma_wait3A_671 = tpu.memref_slice %arg4[%add3A_419, %dma_wait3A_670] : memref<4096x512xf32, #tpu.memory_space<hbm>> -> memref<16x512xf32, #tpu.memory_space<hbm>>
    %dma_wait3A_672 = arith.constant 16 : i32
    %dma_wait3A_673 = arith.constant 0 : i32
    %dma_wait3A_674 = tpu.memref_slice %arg5[%dma_wait3A_672, %dma_wait3A_673] : memref<128x512xf32, #tpu.memory_space<vmem>> -> memref<16x512xf32, #tpu.memory_space<vmem>>
    tpu.wait_dma2 semaphore(%dma_wait3A_669 : memref<!tpu.dma_semaphore, #tpu.memory_space<semaphore_mem>>) src(%dma_wait3A_674 : memref<16x512xf32, #tpu.memory_space<vmem>>) dst(%dma_wait3A_671 : memref<16x512xf32, #tpu.memory_space<hbm>>)
    %dma_wait3A_675 = arith.constant 2 : i32
    %dma_wait3A_676 = arith.constant 32 : i32
    %dma_wait3A_677 = arith.constant 0 : i32
    %dma_wait3A_678 = tpu.memref_slice %arg5[%dma_wait3A_676, %dma_wait3A_677] : memref<128x512xf32, #tpu.memory_space<vmem>> -> memref<16x512xf32, #tpu.memory_space<vmem>>
    %dma_wait3A_679 = arith.constant 0 : i32
    %dma_wait3A_680 = tpu.memref_slice %arg4[%add3A_455, %dma_wait3A_679] : memref<4096x512xf32, #tpu.memory_space<hbm>> -> memref<16x512xf32, #tpu.memory_space<hbm>>
    %dma_wait3A_681 = tpu.memref_slice %arg10[%dma_wait3A_675] : memref<8x!tpu.dma_semaphore, #tpu.memory_space<semaphore_mem>> -> memref<1x!tpu.dma_semaphore, #tpu.memory_space<semaphore_mem>>
    %dma_wait3A_682 = tpu.memref_squeeze %dma_wait3A_681 : memref<1x!tpu.dma_semaphore, #tpu.memory_space<semaphore_mem>> -> memref<!tpu.dma_semaphore, #tpu.memory_space<semaphore_mem>>
    %dma_wait3A_683 = arith.constant 0 : i32
    %dma_wait3A_684 = tpu.memref_slice %arg4[%add3A_455, %dma_wait3A_683] : memref<4096x512xf32, #tpu.memory_space<hbm>> -> memref<16x512xf32, #tpu.memory_space<hbm>>
    %dma_wait3A_685 = arith.constant 32 : i32
    %dma_wait3A_686 = arith.constant 0 : i32
    %dma_wait3A_687 = tpu.memref_slice %arg5[%dma_wait3A_685, %dma_wait3A_686] : memref<128x512xf32, #tpu.memory_space<vmem>> -> memref<16x512xf32, #tpu.memory_space<vmem>>
    tpu.wait_dma2 semaphore(%dma_wait3A_682 : memref<!tpu.dma_semaphore, #tpu.memory_space<semaphore_mem>>) src(%dma_wait3A_687 : memref<16x512xf32, #tpu.memory_space<vmem>>) dst(%dma_wait3A_684 : memref<16x512xf32, #tpu.memory_space<hbm>>)
    %dma_wait3A_688 = arith.constant 3 : i32
    %dma_wait3A_689 = arith.constant 48 : i32
    %dma_wait3A_690 = arith.constant 0 : i32
    %dma_wait3A_691 = tpu.memref_slice %arg5[%dma_wait3A_689, %dma_wait3A_690] : memref<128x512xf32, #tpu.memory_space<vmem>> -> memref<16x512xf32, #tpu.memory_space<vmem>>
    %dma_wait3A_692 = arith.constant 0 : i32
    %dma_wait3A_693 = tpu.memref_slice %arg4[%add3A_491, %dma_wait3A_692] : memref<4096x512xf32, #tpu.memory_space<hbm>> -> memref<16x512xf32, #tpu.memory_space<hbm>>
    %dma_wait3A_694 = tpu.memref_slice %arg10[%dma_wait3A_688] : memref<8x!tpu.dma_semaphore, #tpu.memory_space<semaphore_mem>> -> memref<1x!tpu.dma_semaphore, #tpu.memory_space<semaphore_mem>>
    %dma_wait3A_695 = tpu.memref_squeeze %dma_wait3A_694 : memref<1x!tpu.dma_semaphore, #tpu.memory_space<semaphore_mem>> -> memref<!tpu.dma_semaphore, #tpu.memory_space<semaphore_mem>>
    %dma_wait3A_696 = arith.constant 0 : i32
    %dma_wait3A_697 = tpu.memref_slice %arg4[%add3A_491, %dma_wait3A_696] : memref<4096x512xf32, #tpu.memory_space<hbm>> -> memref<16x512xf32, #tpu.memory_space<hbm>>
    %dma_wait3A_698 = arith.constant 48 : i32
    %dma_wait3A_699 = arith.constant 0 : i32
    %dma_wait3A_700 = tpu.memref_slice %arg5[%dma_wait3A_698, %dma_wait3A_699] : memref<128x512xf32, #tpu.memory_space<vmem>> -> memref<16x512xf32, #tpu.memory_space<vmem>>
    tpu.wait_dma2 semaphore(%dma_wait3A_695 : memref<!tpu.dma_semaphore, #tpu.memory_space<semaphore_mem>>) src(%dma_wait3A_700 : memref<16x512xf32, #tpu.memory_space<vmem>>) dst(%dma_wait3A_697 : memref<16x512xf32, #tpu.memory_space<hbm>>)
    %dma_wait3A_701 = arith.constant 4 : i32
    %dma_wait3A_702 = arith.constant 64 : i32
    %dma_wait3A_703 = arith.constant 0 : i32
    %dma_wait3A_704 = tpu.memref_slice %arg5[%dma_wait3A_702, %dma_wait3A_703] : memref<128x512xf32, #tpu.memory_space<vmem>> -> memref<16x512xf32, #tpu.memory_space<vmem>>
    %dma_wait3A_705 = arith.constant 0 : i32
    %dma_wait3A_706 = tpu.memref_slice %arg4[%add3A_527, %dma_wait3A_705] : memref<4096x512xf32, #tpu.memory_space<hbm>> -> memref<16x512xf32, #tpu.memory_space<hbm>>
    %dma_wait3A_707 = tpu.memref_slice %arg10[%dma_wait3A_701] : memref<8x!tpu.dma_semaphore, #tpu.memory_space<semaphore_mem>> -> memref<1x!tpu.dma_semaphore, #tpu.memory_space<semaphore_mem>>
    %dma_wait3A_708 = tpu.memref_squeeze %dma_wait3A_707 : memref<1x!tpu.dma_semaphore, #tpu.memory_space<semaphore_mem>> -> memref<!tpu.dma_semaphore, #tpu.memory_space<semaphore_mem>>
    %dma_wait3A_709 = arith.constant 0 : i32
    %dma_wait3A_710 = tpu.memref_slice %arg4[%add3A_527, %dma_wait3A_709] : memref<4096x512xf32, #tpu.memory_space<hbm>> -> memref<16x512xf32, #tpu.memory_space<hbm>>
    %dma_wait3A_711 = arith.constant 64 : i32
    %dma_wait3A_712 = arith.constant 0 : i32
    %dma_wait3A_713 = tpu.memref_slice %arg5[%dma_wait3A_711, %dma_wait3A_712] : memref<128x512xf32, #tpu.memory_space<vmem>> -> memref<16x512xf32, #tpu.memory_space<vmem>>
    tpu.wait_dma2 semaphore(%dma_wait3A_708 : memref<!tpu.dma_semaphore, #tpu.memory_space<semaphore_mem>>) src(%dma_wait3A_713 : memref<16x512xf32, #tpu.memory_space<vmem>>) dst(%dma_wait3A_710 : memref<16x512xf32, #tpu.memory_space<hbm>>)
    %dma_wait3A_714 = arith.constant 5 : i32
    %dma_wait3A_715 = arith.constant 80 : i32
    %dma_wait3A_716 = arith.constant 0 : i32
    %dma_wait3A_717 = tpu.memref_slice %arg5[%dma_wait3A_715, %dma_wait3A_716] : memref<128x512xf32, #tpu.memory_space<vmem>> -> memref<16x512xf32, #tpu.memory_space<vmem>>
    %dma_wait3A_718 = arith.constant 0 : i32
    %dma_wait3A_719 = tpu.memref_slice %arg4[%add3A_563, %dma_wait3A_718] : memref<4096x512xf32, #tpu.memory_space<hbm>> -> memref<16x512xf32, #tpu.memory_space<hbm>>
    %dma_wait3A_720 = tpu.memref_slice %arg10[%dma_wait3A_714] : memref<8x!tpu.dma_semaphore, #tpu.memory_space<semaphore_mem>> -> memref<1x!tpu.dma_semaphore, #tpu.memory_space<semaphore_mem>>
    %dma_wait3A_721 = tpu.memref_squeeze %dma_wait3A_720 : memref<1x!tpu.dma_semaphore, #tpu.memory_space<semaphore_mem>> -> memref<!tpu.dma_semaphore, #tpu.memory_space<semaphore_mem>>
    %dma_wait3A_722 = arith.constant 0 : i32
    %dma_wait3A_723 = tpu.memref_slice %arg4[%add3A_563, %dma_wait3A_722] : memref<4096x512xf32, #tpu.memory_space<hbm>> -> memref<16x512xf32, #tpu.memory_space<hbm>>
    %dma_wait3A_724 = arith.constant 80 : i32
    %dma_wait3A_725 = arith.constant 0 : i32
    %dma_wait3A_726 = tpu.memref_slice %arg5[%dma_wait3A_724, %dma_wait3A_725] : memref<128x512xf32, #tpu.memory_space<vmem>> -> memref<16x512xf32, #tpu.memory_space<vmem>>
    tpu.wait_dma2 semaphore(%dma_wait3A_721 : memref<!tpu.dma_semaphore, #tpu.memory_space<semaphore_mem>>) src(%dma_wait3A_726 : memref<16x512xf32, #tpu.memory_space<vmem>>) dst(%dma_wait3A_723 : memref<16x512xf32, #tpu.memory_space<hbm>>)
    %dma_wait3A_727 = arith.constant 6 : i32
    %dma_wait3A_728 = arith.constant 96 : i32
    %dma_wait3A_729 = arith.constant 0 : i32
    %dma_wait3A_730 = tpu.memref_slice %arg5[%dma_wait3A_728, %dma_wait3A_729] : memref<128x512xf32, #tpu.memory_space<vmem>> -> memref<16x512xf32, #tpu.memory_space<vmem>>
    %dma_wait3A_731 = arith.constant 0 : i32
    %dma_wait3A_732 = tpu.memref_slice %arg4[%add3A_599, %dma_wait3A_731] : memref<4096x512xf32, #tpu.memory_space<hbm>> -> memref<16x512xf32, #tpu.memory_space<hbm>>
    %dma_wait3A_733 = tpu.memref_slice %arg10[%dma_wait3A_727] : memref<8x!tpu.dma_semaphore, #tpu.memory_space<semaphore_mem>> -> memref<1x!tpu.dma_semaphore, #tpu.memory_space<semaphore_mem>>
    %dma_wait3A_734 = tpu.memref_squeeze %dma_wait3A_733 : memref<1x!tpu.dma_semaphore, #tpu.memory_space<semaphore_mem>> -> memref<!tpu.dma_semaphore, #tpu.memory_space<semaphore_mem>>
    %dma_wait3A_735 = arith.constant 0 : i32
    %dma_wait3A_736 = tpu.memref_slice %arg4[%add3A_599, %dma_wait3A_735] : memref<4096x512xf32, #tpu.memory_space<hbm>> -> memref<16x512xf32, #tpu.memory_space<hbm>>
    %dma_wait3A_737 = arith.constant 96 : i32
    %dma_wait3A_738 = arith.constant 0 : i32
    %dma_wait3A_739 = tpu.memref_slice %arg5[%dma_wait3A_737, %dma_wait3A_738] : memref<128x512xf32, #tpu.memory_space<vmem>> -> memref<16x512xf32, #tpu.memory_space<vmem>>
    tpu.wait_dma2 semaphore(%dma_wait3A_734 : memref<!tpu.dma_semaphore, #tpu.memory_space<semaphore_mem>>) src(%dma_wait3A_739 : memref<16x512xf32, #tpu.memory_space<vmem>>) dst(%dma_wait3A_736 : memref<16x512xf32, #tpu.memory_space<hbm>>)
    %dma_wait3A_740 = arith.constant 7 : i32
    %dma_wait3A_741 = arith.constant 112 : i32
    %dma_wait3A_742 = arith.constant 0 : i32
    %dma_wait3A_743 = tpu.memref_slice %arg5[%dma_wait3A_741, %dma_wait3A_742] : memref<128x512xf32, #tpu.memory_space<vmem>> -> memref<16x512xf32, #tpu.memory_space<vmem>>
    %dma_wait3A_744 = arith.constant 0 : i32
    %dma_wait3A_745 = tpu.memref_slice %arg4[%add3A_635, %dma_wait3A_744] : memref<4096x512xf32, #tpu.memory_space<hbm>> -> memref<16x512xf32, #tpu.memory_space<hbm>>
    %dma_wait3A_746 = tpu.memref_slice %arg10[%dma_wait3A_740] : memref<8x!tpu.dma_semaphore, #tpu.memory_space<semaphore_mem>> -> memref<1x!tpu.dma_semaphore, #tpu.memory_space<semaphore_mem>>
    %dma_wait3A_747 = tpu.memref_squeeze %dma_wait3A_746 : memref<1x!tpu.dma_semaphore, #tpu.memory_space<semaphore_mem>> -> memref<!tpu.dma_semaphore, #tpu.memory_space<semaphore_mem>>
    %dma_wait3A_748 = arith.constant 0 : i32
    %dma_wait3A_749 = tpu.memref_slice %arg4[%add3A_635, %dma_wait3A_748] : memref<4096x512xf32, #tpu.memory_space<hbm>> -> memref<16x512xf32, #tpu.memory_space<hbm>>
    %dma_wait3A_750 = arith.constant 112 : i32
    %dma_wait3A_751 = arith.constant 0 : i32
    %dma_wait3A_752 = tpu.memref_slice %arg5[%dma_wait3A_750, %dma_wait3A_751] : memref<128x512xf32, #tpu.memory_space<vmem>> -> memref<16x512xf32, #tpu.memory_space<vmem>>
    tpu.wait_dma2 semaphore(%dma_wait3A_747 : memref<!tpu.dma_semaphore, #tpu.memory_space<semaphore_mem>>) src(%dma_wait3A_752 : memref<16x512xf32, #tpu.memory_space<vmem>>) dst(%dma_wait3A_749 : memref<16x512xf32, #tpu.memory_space<hbm>>)
    return
  }
}

</mosaic_0001>

<sc_bundles>
// kernel: kernel.3.cloned.1.call-start
scs
__scs_entry_jumppad:
0x0: {  	(pc) =	sbr.rel $0x88, $3  }
0x1: {  	(tag) =	ssettag $0x0;
	lr =	simm.s32 $0x1  }
0x2: {  	[smem:$0x3F9F] =	sst lr;
	_ =	strace $0xD0000000  }
0x3: {  	_ = 	snop  }
0x4: {  	_ = 	snop  }
0x5: {  	_ = 	snop  }
0x6: {  	_ = 	snop  }
0x7: {  	_ = 	snop  }
__scs_overlays_trampoline_lowered:
0x8: {  	[smem:$0x3FAE] =	sst s0  }
0x9: {  	[smem:$0x3FAF] =	sst s1  }
0xa: {  	[smem:$0x3FB0] =	sst s2  }
0xb: {  	[smem:$0x3FB1] =	sst s3  }
0xc: {  	[smem:$0x3FB2] =	sst s4  }
0xd: {  	[smem:$0x3FB3] =	sst s5  }
0xe: {  	[smem:$0x3FB4] =	sst s6  }
0xf: {  	[smem:$0x3FB5] =	sst s7  }
0x10: {  	[smem:$0x3FB6] =	sst s8  }
0x11: {  	[smem:$0x3FB7] =	sst s9;
	s0 =	simm.s32 @!p0 $0x0  }
0x12: {  	s1 =	sld [smem:$0x3F9D];
	s0 =	simm.s32 @p0 $0x1  }
0x13: {  	[smem:$0x3FB8] =	sst s0;
	s0 =	simm.s32 @!p1 $0x0  }
0x14: {  	s2 =	sld [smem:$0x3F9C];
	s0 =	simm.s32 @p1 $0x1  }
0x15: {  	[smem:$0x3FB9] =	sst s0;
	s0 =	simm.s32 @!p2 $0x0  }
0x16: {  	s3 =	sld [smem:$0x3FDB];
	s0 =	simm.s32 @p2 $0x1  }
0x17: {  	s4 =	simm.s32 $0x1BF5;
	[smem:$0x3FBB] =	sst s0  }
0x18: {  	s0 =	sld [smem:$0x3F9E];
	_ =	swait.ge [sflag:s4], $0x0  }
0x19: {  	s7 =	sld [smem:$0x3F9F]  }
0x1a: {  	s8 =	sadd.s32 $0xFFFFE003, lr  }
0x1b: {  	s9 =	sadd.s32 $0xFFFFFEF7, lr;
	s5 =	simm.s32 $0xFFFFFFFF;
	p2 =	slt.u32 s8, $0xFFFFF086  }
0x1c: {  	p1 =	slt.u32 s9, $0xF7A;
	s5 =	simm.s32 @!p2 $0x0  }
0x1d: {  	s5 =	simm.s32 @p1 $0x1;
	p0 =	seq.s32 s7, s2  }
0x1e: {  	s7 =	smul.u32 @!p0 $0xF7A, s2;
	p2 =	seq.s32 @!p0 s5, $0x0  }
0x1f: {  	s9 =	smul.u32 $0xF7A, s1;
	s8 =	simm.s32 @!p0 $0x1BF5;
	p2 =	por !p2, p0  }
0x20: {  	[sflag:s8] =	ssyncset.s32 @!p0 $0xFFFFF086;
	s6 =	sadd.s32 @!p0 s3, s7;
	s7 =	simm.s32 @!p0 $0x108  }
0x21: {  	s3 =	sadd.s32 s3, s9;
	s6 =	sadd.s32 @!p0 $0x88, s6;
	s7 =	simm.s32 @p2 $0x1082  }
0x22: {  	[simem:s7], [sflag:s8] =	dma.local @!p0 [hbm:s6], $0xF7A  }
0x23: {  	s9 =	sor.u32 $0xD0000000, s2;
	s6 =	simm.s32 $0x108;
	_ =	swait.ge @!p0 [sflag:s8], $0x0  }
0x24: {  	s3 =	sadd.s32 $0x88, s3;
	s6 =	simm.s32 @!p1 $0x1082;
	[sflag:s4] =	ssyncset.s32 $0xFFFFF086  }
0x25: {  	[simem:s6], [sflag:s4] =	dma.local [hbm:s3], $0xF7A  }
0x26: {  	[smem:$0x3F9F] =	sst s1;
	(tag) =	ssettag s2;
	_ =	strace s9  }
0x27: {  	s1 =	sld [smem:$0x3FAF]  }
0x28: {  	s2 =	sld [smem:$0x3FB0]  }
0x29: {  	s4 =	sld [smem:$0x3FB2]  }
0x2a: {  	p0 =	seq.s32 s5, $0x0;
	s5 =	sld [smem:$0x3FB3]  }
0x2b: {  	s6 =	sld [smem:$0x3FB4]  }
0x2c: {  	s7 =	sld [smem:$0x3FB5]  }
0x2d: {  	s3 =	simm.s32 $0x108;
	s8 =	sld [smem:$0x3FB6]  }
0x2e: {  	s3 =	simm.s32 @!p0 $0x1082;
	s9 =	sld [smem:$0x3FB7]  }
0x2f: {  	lr =	sadd.s32 s0, s3;
	s0 =	sld [smem:$0x3FAE]  }
0x30: {  	s3 =	sld [smem:$0x3FB1]  }
0x31: {  	[smem:$0x3FBA] =	sst s10  }
0x32: {  	s10 =	sld [smem:$0x3FB8];
	_ =	sdelay $0x3  }
0x33: {  	p0 =	seq.s32 s10, $0x1;
	s10 =	sld [smem:$0x3FBA];
	_ =	sdelay $0x3  }
0x34: {  	[smem:$0x3FBA] =	sst s10  }
0x35: {  	s10 =	sld [smem:$0x3FB9];
	_ =	sdelay $0x3  }
0x36: {  	p1 =	seq.s32 s10, $0x1;
	s10 =	sld [smem:$0x3FBA];
	_ =	sdelay $0x3  }
0x37: {  	[smem:$0x3FBA] =	sst s10  }
0x38: {  	s10 =	sld [smem:$0x3FBB]  }
0x39: {  	_ = 	snop;
	(pc) =	sbr.ind lr, $3  }
0x3a: {  	_ = 	snop  }
0x3b: {  	_ = 	snop  }
0x3c: {  	p2 =	seq.s32 s10, $0x1;
	s10 =	sld [smem:$0x3FBA]  }
0x3d: {  	_ =	shalt  }
0x3e: {  	_ =	shalt  }
0x3f: {  	_ =	shalt  }
0x40: {  	_ =	shalt  }
0x41: {  	_ =	shalt  }
0x42: {  	_ =	shalt  }
0x43: {  	_ =	shalt  }
0x44: {  	_ =	shalt  }
0x45: {  	_ =	shalt  }
0x46: {  	_ =	shalt  }
0x47: {  	_ =	shalt  }
0x48: {  	_ =	shalt  }
0x49: {  	_ =	shalt  }
0x4a: {  	_ =	shalt  }
0x4b: {  	_ =	shalt  }
0x4c: {  	_ =	shalt  }
0x4d: {  	_ =	shalt  }
0x4e: {  	_ =	shalt  }
0x4f: {  	_ =	shalt  }
0x50: {  	_ =	shalt  }
0x51: {  	_ =	shalt  }
0x52: {  	_ =	shalt  }
0x53: {  	_ =	shalt  }
0x54: {  	_ =	shalt  }
0x55: {  	_ =	shalt  }
0x56: {  	_ =	shalt  }
0x57: {  	_ =	shalt  }
0x58: {  	_ =	shalt  }
0x59: {  	_ =	shalt  }
0x5a: {  	_ =	shalt  }
0x5b: {  	_ =	shalt  }
0x5c: {  	_ =	shalt  }
0x5d: {  	_ =	shalt  }
0x5e: {  	_ =	shalt  }
0x5f: {  	_ =	shalt  }
0x60: {  	_ =	shalt  }
0x61: {  	_ =	shalt  }
0x62: {  	_ =	shalt  }
0x63: {  	_ =	shalt  }
0x64: {  	_ =	shalt  }
0x65: {  	_ =	shalt  }
0x66: {  	_ =	shalt  }
0x67: {  	_ =	shalt  }
0x68: {  	_ =	shalt  }
0x69: {  	_ =	shalt  }
0x6a: {  	_ =	shalt  }
0x6b: {  	_ =	shalt  }
0x6c: {  	_ =	shalt  }
0x6d: {  	_ =	shalt  }
0x6e: {  	_ =	shalt  }
0x6f: {  	_ =	shalt  }
0x70: {  	_ =	shalt  }
0x71: {  	_ =	shalt  }
0x72: {  	_ =	shalt  }
0x73: {  	_ =	shalt  }
0x74: {  	_ =	shalt  }
0x75: {  	_ =	shalt  }
0x76: {  	_ =	shalt  }
0x77: {  	_ =	shalt  }
0x78: {  	_ =	shalt  }
0x79: {  	_ =	shalt  }
0x7a: {  	_ =	shalt  }
0x7b: {  	_ =	shalt  }
0x7c: {  	_ =	shalt  }
0x7d: {  	_ =	shalt  }
0x7e: {  	_ =	shalt  }
0x7f: {  	_ =	shalt  }
0x80: {  	_ =	shalt  }
0x81: {  	_ =	shalt  }
0x82: {  	_ =	shalt  }
0x83: {  	_ =	shalt  }
0x84: {  	_ =	shalt  }
0x85: {  	_ =	shalt  }
0x86: {  	_ =	shalt  }
0x87: {  	_ =	shalt  }
.Lfunc_end0:
.L_simem_size_0:
called_computation_lowered:
.L_overlay_start_0:
0x88: {  	s2 =	sld [smem:$0x3FD9]  }
0x89: {  	s3 =	sld [smem:$0x3FFE];
	_ =	sdelay $0x1  }
0x8a: {  	s1 =	srdreg.scid  }
0x8b: {  	s0 =	sand.u32 $0x1, s1  }
0x8c: {  	s15 =	sshll.u32 s0, $0xA;
	s2 =	sadd.s32 s3, s2  }
0x8d: {  	s2 =	sadd.s32 s2, s15  }
0x8e: {  	[smem:$0x3FC6] =	sst s2  }
0x8f: {  	_ = 	snop  }
0x90: {  	s2 =	sld [smem:$0x3FD0];
	_ =	sdelay $0x2  }
0x91: {  	s4 =	simm.s32 $0xA;
	s5 =	simm.s32 $0x10;
	s16 =	sld [smem:$0x3FC9]  }
0x92: {  	[smem:s5], [sflag:s4] =	dma.local [hbm:s2], $0x1  }
0x93: {  	_ =	swait.eq [sflag:s4], $0x1  }
0x94: {  	[sflag:s4] =	ssyncset.done $0x0  }
0x95: {  	s17 =	sld [smem:$0x10];
	[sflag:s4] =	ssyncadd.s32 $0xFFFFFFFF  }
0x96: {  	s18 =	sld [smem:$0x11];
	(tm) =	ssettm $0x1  }
0x97: {  	s19 =	sld [smem:$0x3FFB];
	_ =	sdelay $0x3  }
0x98: {  	_ =	strace s19  }
0x99: {  	s5 =	sld [smem:$0x3FFC];
	_ =	sdelay $0x3  }
0x9a: {  	_ =	strace s5  }
0x9b: {  	s5 =	sld [smem:$0x3FFD];
	_ =	sdelay $0x3  }
0x9c: {  	_ =	strace s5  }
0x9d: {  	_ =	strace $0x8FFFFFFF  }
0x9e: {  	s20 =	sld [smem:$0x3FDB];
	_ =	sdelay $0x1  }
0x9f: {  	s6 =	simm.s32 $_scs_section_size  }
0xa0: {  	s7 =	simm.s32 $_size__tile_overlayer_lowered;
	s8 =	simm.s32 $_tile_overlayer_lowered  }
0xa1: {  	s23 =	simm.s32 $0x1BFF;
	s22 =	sshll.u32 s8, $0x1;
	s5 =	sadd.s32 s6, s20  }
0xa2: {  	s9 =	simm.s32 $0x0;
	s21 =	sshll.u32 s7, $0x1;
	s7 =	sadd.s32 s22, s5  }
0xa3: {  	[timem:s9], [sflag:s23] =	dma.local [hbm:s7], s21  }
0xa4: {  	_ =	swait.ge [sflag:s23], s21  }
0xa5: {  	s6 =	ssub.s32 $0x0, s21;
	[sflag:s23] =	ssyncset.done $0x0  }
0xa6: {  	[sflag:s23] =	ssyncadd.s32 s6;
	_ =	sdelay $0x1  }
0xa7: {  	s24 =	simm.s32 $0x1B8B  }
0xa8: {  	_ =	swait.ge [sflag:s24], $0x1  }
0xa9: {  	[sflag:s24] =	ssyncset.done $0x0  }
0xaa: {  	s25 =	simm.s32 $0x1B8E;
	[sflag:s24] =	ssyncadd.s32 $0xFFFFFFFF  }
0xab: {  	s26 =	simm.s32 $execute0_lowered;
	[smem:$0x3FD2] =	sst s25  }
0xac: {  	s6 =	sshll.u32 s26, $0x1;
	_ =	strace $0x80000046;
	[dreg:$0x1] =	wrdreg $0xFFFFFFFF  }
0xad: {  	s28 =	simm.s32 $_size_execute0_lowered;
	s5 =	sadd.s32 s5, s6;
	[dreg:$0x0] =	wrdreg $0x0  }
0xae: {  	s6 =	sshll.u32 s28, $0x1;
	[dreg:$0x2] =	wrdreg s5  }
0xaf: {  	[dreg:$0x3] =	wrdreg s6  }
0xb0: {  	[dreg:$0x4] =	wrdreg $0xC0  }
0xb1: {  	_ =	task [dreg:s9], $0x5FFFF  }
0xb2: {  	[dreg:$0x1] =	wrdreg $0xFFFFFFFF  }
0xb3: {  	[dreg:$0x0] =	wrdreg $0x60  }
0xb4: {  	[dreg:$0x2] =	wrdreg s16  }
0xb5: {  	[dreg:$0x3] =	wrdreg s18  }
0xb6: {  	[dreg:$0x4] =	wrdreg s17  }
0xb7: {  	[dreg:$0x5] =	wrdreg $0x9  }
0xb8: {  	_ =	task.clear_ibuf [dreg:s9], $0x6FFFF;
	_ =	strace $0x90000046  }
0xb9: {  	s29 =	simm.s32 $0x9;
	_ =	strace $0x80000048  }
0xba: {  	_ =	swait.ge [sflag:s29], $0x1  }
0xbb: {  	[sflag:s29] =	ssyncadd.s32 $0xFFFFFFFF  }
0xbc: {  	_ =	strace $0x90000048  }
0xbd: {  	_ =	sfence  }
0xbe: {  	s30 =	sld [smem:$0x0];
	_ =	sdelay $0x2  }
0xbf: {  	s31 =	sshll.u32 s1, $0xD;
	s1 =	sshrl.u32 s1, $0x2  }
0xc0: {  	s3 =	sand.u32 $0x4000, s31;
	s1 =	sadd.s32 s1, s30  }
0xc1: {  	s0 =	sor.u32 s3, s0;
	s1 =	sshll.u32 s1, $0x11  }
0xc2: {  	s0 =	sor.u32 s1, s0  }
0xc3: {  	s0 =	sadd.s32 $0x8F2B, s0  }
0xc4: {  	[sflag:s0] =	ssyncadd.remote.s32 $0x1  }
0xc5: {  	_ =	sfence.sel $0xFFFF  }
0xc6: {  	[dreg:$0x0] =	wrdreg $0xFFFFFFFF;
	(pc) =	sbr.abs _section_cstart, $3  }
0xc7: {  	[dreg:$0x1] =	wrdreg $0xFFFFFFFF  }
0xc8: {  	_ =	task.clear_ibuf [dreg:s9], $0x2FFFF;
	_ =	strace $0x9FFFFFFF  }
0xc9: {  	(tm) =	ssettm $0x7FFFFFFF  }
tec
execute0_lowered:
.L_overlay_start_1:
0x0: {  	(tag) =	ssettag $0x1  }
0x1: {  	s1 =	rddreg [dreg:$0x0]  }
0x2: {  	s0 =	rddreg [dreg:$0x1];
	s2 =	srdreg.scid  }
0x3: {  	s20 =	stileid.u32;
	s4 =	rddreg [dreg:$0x2];
	s2 =	sand.u32 $0x1, s2  }
0x4: {  	s3 =	simm.s32 $0x0;
	s5 =	sshll.u32 s20, $0x8;
	s6 =	sshll.u32 s2, $0x7  }
0x5: {  	s28 =	simm.s32 $0xC;
	[dreg:$0x4] =	wrdreg s0;
	s6 =	sor.u32 s6, s5  }
0x6: {  	s29 =	simm.s32 $0xD;
	[smem:$0x7FF] =	sst s3;
	s7 =	sshll.u32 s6, $0x6  }
0x7: {  	s30 =	simm.s32 $0xE;
	_ =	strace $0x80000047;
	s8 =	sadd.s32 s1, s7  }
0x8: {  	s9 =	sor.u32 $0x400, s7;
	s10 =	sor.u32 $0x800, s7;
	s11 =	sor.u32 $0xC00, s7  }
0x9: {  	s12 =	sor.u32 $0x1000, s7;
	s13 =	sor.u32 $0x1400, s7;
	s14 =	sor.u32 $0x1800, s7  }
0xa: {  	s15 =	sor.u32 $0x1C00, s7;
	s7 =	sadd.s32 s4, s7;
	[dreg:$0x5] =	wrdreg s8  }
0xb: {  	s31 =	simm.s32 $0xF;
	s21 =	sadd.s32 s1, s9;
	[dreg:$0xd] =	wrdreg s7  }
0xc: {  	s19 =	sshll.u32 s20, $0x1;
	s22 =	sadd.s32 s1, s10;
	[dreg:$0x6] =	wrdreg s21  }
0xd: {  	s2 =	ssub.s32 $0x2, s2;
	s23 =	sadd.s32 s1, s11;
	[dreg:$0x7] =	wrdreg s22  }
0xe: {  	s5 =	sand.u32 $0xE00, s5;
	s24 =	sadd.s32 s1, s12;
	[dreg:$0x8] =	wrdreg s23  }
0xf: {  	v4 =	vmov s5;
	s5 =	simm.s32 $0x2000;
	s25 =	sadd.s32 s1, s13;
	[dreg:$0x9] =	wrdreg s24  }
0x10: {  	s26 =	sadd.s32 s1, s14;
	s16 =	sadd.s32 s1, s15;
	[dreg:$0xa] =	wrdreg s25  }
0x11: {  	s17 =	sadd.s32 s4, s9;
	s18 =	sadd.s32 s4, s10;
	[dreg:$0xb] =	wrdreg s26  }
0x12: {  	s20 =	sadd.s32 s4, s11;
	s8 =	sand.u32 $0x1C, s19;
	[dreg:$0xc] =	wrdreg s16  }
0x13: {  	vm1 =	vcmask $0x300;
	v7 =	vimm.s32 $0x1;
	v8 =	vlaneseq.u32;
	s7 =	simm.s32 $0x6000;
	s9 =	simm.s32 $0xA000;
	[dreg:$0xe] =	wrdreg s17  }
0x14: {  	vm0 =	vmmov $0x1;
	vm2 =	vmmov $0xff;
	v10 =	vimm.f32 $0.0e+00;
	s10 =	simm.s32 $0xC000;
	s11 =	simm.s32 $0xE000;
	[dreg:$0xf] =	wrdreg s18  }
0x15: {  	vm3 =	vcmask $0x3F18;
	vm4 =	vcmask $0x3F10;
	vm5 =	vcmask $0x3F1C;
	s19 =	simm.s32 $0x4;
	[dreg:$0x10] =	wrdreg s20;
	s21 =	sadd.s32 s4, s12  }
0x16: {  	vm6 =	vcmask $0x3F14;
	vm7 =	vcmask $0x3F0C;
	vm8 =	vcmask $0x1308;
	s22 =	sadd.s32 s4, s13;
	s23 =	sadd.s32 $0x80, s6;
	s24 =	sadd.s32 s4, s14  }
0x17: {  	vm9 =	vcmask $0x338;
	v11 =	vimm.f32 $1.000000000e+00;
	v5 =	vmov s6;
	s25 =	sshrl.u32 s2, $0x1;
	s4 =	sadd.s32 s4, s15;
	s6 =	simm.s32 $0x4000  }
0x18: {  	vm10 =	vcmask $0x2318;
	vm11 =	vcmask $0x3B30;
	v0 =	vmov s8;
	s8 =	simm.s32 $0x8000;
	s26 =	simm.s32 $0x10080;
	s12 =	simm.s32 $0x10000  }
0x19: {  	v7 =	vsel vm1, $0x0, v7;
	v9 =	vshrl.u32 v8, $0x1;
	vm1 =	vmmov $0x3;
	s13 =	simm.s32 $0x12;
	s14 =	simm.s32 $0x10100;
	[dreg:$0x11] =	wrdreg s21  }
0x1a: {  	v8 =	vand.u32 $0x1, v8;
	vm8 =	vmor vm9, vm8;
	vm9 =	vcmask $0xB00;
	s15 =	simm.s32 $0x11;
	s16 =	simm.s32 $0x1;
	[dreg:$0x12] =	wrdreg s22  }
0x1b: {  	v11 =	vsel vm9, $0x0, v11;
	vm9 =	vcmask $0x1B10;
	vm8 =	vmor vm8, vm10;
	s17 =	simm.s32 $0x2;
	s18 =	simm.s32 $0x3;
	[dreg:$0x13] =	wrdreg s24  }
0x1c: {  	vm10 =	vcmask $0x3328;
	v11 =	vsel vm9, $0x0, v11;
	vm9 =	vcmask $0x2B20;
	s20 =	simm.s32 $0x5;
	s2 =	ssub.s32 s2, s25;
	[dreg:$0x14] =	wrdreg s4  }
0x1d: {  	v9 =	vmul.u32 $0x8, v9;
	vm8 =	vmor vm8, vm10;
	v11 =	vsel vm9, $0x0, v11;
	[dreg:$0x15] =	wrdreg s26;
	s21 =	simm.s32 $0x6;
	s22 =	simm.s32 $0x7  }
0x1e: {  	vm9 =	vcmask $0x3F08;
	v11 =	vsel vm11, $0x0, v11;
	v6 =	vmov s23;
	s23 =	simm.s32 $0x8;
	s24 =	simm.s32 $0x9;
	s25 =	simm.s32 $0xA  }
0x1f: {  	v1 =	vor.u32 $0x1, v0;
	v2 =	vor.u32 $0x2, v0;
	v3 =	vor.u32 $0x3, v0;
	s26 =	simm.s32 $0xB;
	s4 =	smax.u32 s2, $0x1;
	s2 =	simm.s32 $0x10  }
.LBB2_1:
0x20: {  	s0 =	rddreg [dreg:$0x5]  }
0x21: {  	[tilespmem:s3], [sflag:$0x1] =	stream.linear.gather [hbm4b:s0+s3], $0x2000, $0x38;
	[tilespmem:$0x10500] =	vst v63  }
0x22: {  	s1 =	rddreg [dreg:$0x6]  }
0x23: {  	[tilespmem:s5], [sflag:$0x2] =	stream.linear.gather [hbm4b:s1+s3], $0x2000, $0x38;
	[tilespmem:$0x10500] =	vst v63  }
0x24: {  	s0 =	rddreg [dreg:$0x7]  }
0x25: {  	[tilespmem:s6], [sflag:$0x3] =	stream.linear.gather [hbm4b:s0+s3], $0x2000, $0x38;
	[tilespmem:$0x10500] =	vst v63  }
0x26: {  	s1 =	rddreg [dreg:$0x8]  }
0x27: {  	[tilespmem:s7], [sflag:$0x4] =	stream.linear.gather [hbm4b:s1+s3], $0x2000, $0x38;
	[tilespmem:$0x10500] =	vst v63  }
0x28: {  	s0 =	rddreg [dreg:$0x9]  }
0x29: {  	[tilespmem:s8], [sflag:$0x5] =	stream.linear.gather [hbm4b:s0+s3], $0x2000, $0x38;
	[tilespmem:$0x10500] =	vst v63  }
0x2a: {  	s1 =	rddreg [dreg:$0xa]  }
0x2b: {  	[tilespmem:s9], [sflag:$0x6] =	stream.linear.gather [hbm4b:s1+s3], $0x2000, $0x38;
	[tilespmem:$0x10500] =	vst v63  }
0x2c: {  	s0 =	rddreg [dreg:$0xb]  }
0x2d: {  	[tilespmem:s10], [sflag:$0x7] =	stream.linear.gather [hbm4b:s0+s3], $0x2000, $0x38;
	[tilespmem:$0x10500] =	vst v63  }
0x2e: {  	s1 =	rddreg [dreg:$0xc]  }
0x2f: {  	[tilespmem:s11], [sflag:$0x8] =	stream.linear.gather [hbm4b:s1+s3], $0x2000, $0x38;
	[tilespmem:$0x10500] =	vst v63  }
0x30: {  	s0 =	rddreg [dreg:$0x4]  }
0x31: {  	[tilespmem:s12], [sflag:$0x12] =	stream.linear.gather [hbm4b:s0+s3], $0x80, $0x38;
	[tilespmem:$0x10500] =	vst v63  }
0x32: {  	_ =	swait.ge [sflag:s13], $0x80  }
0x33: {  	[sflag:s13] =	ssyncset.done $0x0  }
0x34: {  	[sflag:s13] =	ssyncadd.s32 $0xFFFFFF80  }
0x35: {  	v12 =	vld.idx.msk [tilespmem:v0+s12+$0x0], $0xffff  }
0x36: {  	v13 =	vld.idx.msk [tilespmem:v1+s12+$0x0], $0xffff;
	_ =	sdelay $0x4  }
0x37: {  	v15 =	vsel vm0, v12, v13  }
0x38: {  	s1 =	rddreg [dreg:$0x15];
	v14 =	vld.idx.msk [tilespmem:v2+s12+$0x0], $0xffff;
	v15 =	vadd.s32 v4, v15  }
0x39: {  	v16 =	vld.idx.msk [tilespmem:v3+s12+$0x0], $0xffff;
	[tilespmem:v7+s1+$0x0] =	vst.idx.msk $0x3, v15  }
0x3a: {  	v15 =	vld.msk [tilespmem:$0x10080], $0x3;
	_ =	sdelay $0x4  }
0x3b: {  	v17 =	vshll.u32 v15, $0x2  }
0x3c: {  	v15 =	vand.u32 $0x7, v15;
	v17 =	vand.u32 $0xFFFFFFE0, v17  }
0x3d: {  	v15 =	vor.u32 v15, v17  }
0x3e: {  	v15 =	vperm.xlane v15, v8;
	_ =	sdelay $0x1  }
0x3f: {  	v15 =	vadd.s32 v9, v15;
	_ =	sdelay $0x1  }
0x40: {  	v49 =	vshll.u32 v14, $0x1  }
0x41: {  	v18 =	vand.u32 $0x7F, v14;
	v19 =	vshll.u32 v16, $0x1;
	v17 =	vand.u32 $0xFFFFFF00, v49  }
0x42: {  	v50 =	vand.u32 $0x7F, v16;
	v19 =	vand.u32 $0xFFFFFF00, v19;
	s1 =	rddreg [dreg:$0x0];
	v17 =	vor.u32 v18, v17  }
0x43: {  	v51 =	vor.u32 v19, v50;
	[tilespmem:s14], [sflag:$0x11] =	stream.indirect_vreg.gather [hbm4b:s1+s3], $0x80, v15, vm2, $0xb8;
	[tilespmem:$0x10500] =	vst v63  }
0x44: {  	v15 =	vor.u32 $0x80, v51;
	_ =	swait.ge [sflag:s15], $0x400  }
0x45: {  	[sflag:s15] =	ssyncset.done $0x0  }
0x46: {  	[sflag:s15] =	ssyncadd.s32 $0xFFFFFC00  }
0x47: {  	v52 =	vand.u32 $0x7F, v13;
	vm10 =	vne.s32 v12, v13;
	vm11 =	vne.s32 v12, v14;
	v17 =	vld.idx.msk [tilespmem:v17+s14+$0x0], $0xffff  }
0x48: {  	v53 =	vshll.u32 v13, $0x1;
	vm10 =	vmand vm10, vm11;
	vm11 =	vne.s32 v12, v16  }
0x49: {  	v54 =	vsel vm3, v16, v14;
	vm10 =	vmand vm10, vm11;
	vm11 =	vne.s32 v13, v14;
	v15 =	vld.idx.msk [tilespmem:v15+s14+$0x0], $0xffff  }
0x4a: {  	v56 =	vsel vm5, v13, v14;
	vm10 =	vmand vm11, vm10;
	vm11 =	vne.s32 v13, v16  }
0x4b: {  	v55 =	vsel vm4, v54, v13;
	vm10 =	vmand vm11, vm10;
	vm11 =	vne.s32 v14, v16  }
0x4c: {  	v19 =	vand.u32 $0xFFFFFF00, v53;
	vm10 =	vmand vm11, vm10;
	vm12 =	vgt.f32 v17, $0.0e+00  }
0x4d: {  	v18 =	vor.u32 v52, v19;
	v17 =	vsel vm3, v56, v12;
	vm11 =	vmneg vm12  }
0x4e: {  	vm12 =	vgt.f32 v15, $0.0e+00;
	v15 =	vsel vm1, v12, v55;
	v16 =	vsel vm6, v17, v16  }
0x4f: {  	vm12 =	vmneg vm12;
	v15 =	vadd.s32 v4, v15;
	v12 =	vsel vm7, v16, v12  }
0x50: {  	vm11 =	vmand vm11, vm12;
	v57 =	vsub.s32 v15, v5;
	v12 =	vsel vm9, v12, v14  }
0x51: {  	vm12 =	vge.s32 v15, v5;
	vm10 =	vmand vm10, vm11;
	vm11 =	vgt.s32 v57, $0x0  }
0x52: {  	v12 =	vsel vm0, v13, v12;
	v58 =	vnsel vm11, $0x0, v57;
	vm10 =	vmand vm10, vm12  }
0x53: {  	vm11 =	vlt.s32 v15, v6;
	v60 =	vshll.u32 v12, $0x3;
	v59 =	vmin.u32 v58, $0x7F  }
0x54: {  	vm10 =	vmand vm10, vm11;
	v15 =	vand.u32 $0xFFFFFC00, v60;
	v14 =	vshll.u32 v59, $0x9  }
0x55: {  	v61 =	vld.idx.msk [tilespmem:v18+s14+$0x0], $0xffff;
	vm11 =	vlt.s32 v57, $0x10;
	v13 =	vshll.u32 v59, $0x7;
	v14 =	vand.u32 $0xF000, v14  }
0x56: {  	vm10 =	vmand vm10, vm2;
	v13 =	vand.u32 $0x380, v13;
	v14 =	vadd.s32 v15, v14  }
0x57: {  	v12 =	vand.u32 $0x7F, v12;
	vm11 =	vmand vm11, vm10;
	v13 =	vor.u32 v13, v14  }
0x58: {  	v12 =	vor.u32 v12, v13;
	_ =	sdelay $0x1  }
0x59: {  	_ =	swait.ge [sflag:s16], $0x2000;
	v62 =	vand.u32 $0xFFFFFFF0, v57;
	vm12 =	vgt.f32 v61, $0.0e+00  }
0x5a: {  	[sflag:s16] =	ssyncset.done $0x0;
	v63 =	vsel vm12, $0x3F800000, v10;
	vm12 =	veq.s32 v62, $0x10  }
0x5b: {  	[sflag:s16] =	ssyncadd.s32 $0xFFFFE000;
	vm12 =	vmand vm12, vm10;
	v14 =	vsel vm8, v11, v63  }
0x5c: {  	s1 =	rddreg [dreg:$0xd];
	[tilespmem:v12+s3+$0x0] =	vst.idx.msk vm11, v14  }
0x5d: {  	[hbm4b:s1+s3] =	stream.linear.scatter [tilespmem:s3], [sflag:$0x9], $0x2000, $0x38;
	[tilespmem:$0x10500] =	vst v63  }
0x5e: {  	_ =	swait.ge [sflag:s17], $0x2000  }
0x5f: {  	vm11 =	veq.s32 v62, $0x20;
	[sflag:s17] =	ssyncset.done $0x0  }
0x60: {  	vm11 =	vmand vm11, vm10;
	[sflag:s17] =	ssyncadd.s32 $0xFFFFE000  }
0x61: {  	s1 =	rddreg [dreg:$0xe];
	[tilespmem:v12+s3+$0x0] =	vst.idx.msk vm12, v14  }
0x62: {  	[hbm4b:s1+s3] =	stream.linear.scatter [tilespmem:s5], [sflag:$0xA], $0x2000, $0x38;
	[tilespmem:$0x10500] =	vst v63  }
0x63: {  	_ =	swait.ge [sflag:s18], $0x2000  }
0x64: {  	vm12 =	veq.s32 v62, $0x30;
	[sflag:s18] =	ssyncset.done $0x0  }
0x65: {  	vm12 =	vmand vm12, vm10;
	[sflag:s18] =	ssyncadd.s32 $0xFFFFE000  }
0x66: {  	s1 =	rddreg [dreg:$0xf];
	[tilespmem:v12+s3+$0x0] =	vst.idx.msk vm11, v14  }
0x67: {  	[hbm4b:s1+s3] =	stream.linear.scatter [tilespmem:s6], [sflag:$0xB], $0x2000, $0x38;
	[tilespmem:$0x10500] =	vst v63  }
0x68: {  	_ =	swait.ge [sflag:s19], $0x2000  }
0x69: {  	vm11 =	veq.s32 v62, $0x40;
	[sflag:s19] =	ssyncset.done $0x0  }
0x6a: {  	vm11 =	vmand vm11, vm10;
	[sflag:s19] =	ssyncadd.s32 $0xFFFFE000  }
0x6b: {  	s1 =	rddreg [dreg:$0x10];
	[tilespmem:v12+s3+$0x0] =	vst.idx.msk vm12, v14  }
0x6c: {  	[hbm4b:s1+s3] =	stream.linear.scatter [tilespmem:s7], [sflag:$0xC], $0x2000, $0x38;
	[tilespmem:$0x10500] =	vst v63  }
0x6d: {  	_ =	swait.ge [sflag:s20], $0x2000  }
0x6e: {  	vm12 =	veq.s32 v62, $0x50;
	[sflag:s20] =	ssyncset.done $0x0  }
0x6f: {  	vm12 =	vmand vm12, vm10;
	[sflag:s20] =	ssyncadd.s32 $0xFFFFE000  }
0x70: {  	s1 =	rddreg [dreg:$0x11];
	[tilespmem:v12+s3+$0x0] =	vst.idx.msk vm11, v14  }
0x71: {  	[hbm4b:s1+s3] =	stream.linear.scatter [tilespmem:s8], [sflag:$0xD], $0x2000, $0x38;
	[tilespmem:$0x10500] =	vst v63  }
0x72: {  	_ =	swait.ge [sflag:s21], $0x2000  }
0x73: {  	vm11 =	veq.s32 v62, $0x60;
	[sflag:s21] =	ssyncset.done $0x0  }
0x74: {  	vm11 =	vmand vm11, vm10;
	[sflag:s21] =	ssyncadd.s32 $0xFFFFE000  }
0x75: {  	s1 =	rddreg [dreg:$0x12];
	[tilespmem:v12+s3+$0x0] =	vst.idx.msk vm12, v14  }
0x76: {  	[hbm4b:s1+s3] =	stream.linear.scatter [tilespmem:s9], [sflag:$0xE], $0x2000, $0x38;
	[tilespmem:$0x10500] =	vst v63  }
0x77: {  	_ =	swait.ge [sflag:s22], $0x2000  }
0x78: {  	vm12 =	vgt.s32 v57, $0x6F;
	[sflag:s22] =	ssyncset.done $0x0  }
0x79: {  	vm10 =	vmand vm12, vm10;
	[sflag:s22] =	ssyncadd.s32 $0xFFFFE000  }
0x7a: {  	s1 =	rddreg [dreg:$0x13];
	[tilespmem:v12+s3+$0x0] =	vst.idx.msk vm11, v14  }
0x7b: {  	[hbm4b:s1+s3] =	stream.linear.scatter [tilespmem:s10], [sflag:$0xF], $0x2000, $0x38;
	[tilespmem:$0x10500] =	vst v63  }
0x7c: {  	_ =	swait.ge [sflag:s23], $0x2000  }
0x7d: {  	[sflag:s23] =	ssyncset.done $0x0  }
0x7e: {  	[sflag:s23] =	ssyncadd.s32 $0xFFFFE000  }
0x7f: {  	s1 =	rddreg [dreg:$0x14];
	[tilespmem:v12+s3+$0x0] =	vst.idx.msk vm10, v14  }
0x80: {  	[hbm4b:s1+s3] =	stream.linear.scatter [tilespmem:s11], [sflag:$0x10], $0x2000, $0x38;
	[tilespmem:$0x10500] =	vst v63  }
0x81: {  	_ =	swait.ge [sflag:s24], $0x2000  }
0x82: {  	[sflag:s24] =	ssyncset.done $0x0  }
0x83: {  	[sflag:s24] =	ssyncadd.s32 $0xFFFFE000  }
0x84: {  	_ =	swait.ge [sflag:s25], $0x2000  }
0x85: {  	[sflag:s25] =	ssyncset.done $0x0  }
0x86: {  	[sflag:s25] =	ssyncadd.s32 $0xFFFFE000  }
0x87: {  	_ =	swait.ge [sflag:s26], $0x2000  }
0x88: {  	[sflag:s26] =	ssyncset.done $0x0  }
0x89: {  	[sflag:s26] =	ssyncadd.s32 $0xFFFFE000  }
0x8a: {  	_ =	swait.ge [sflag:s28], $0x2000  }
0x8b: {  	[sflag:s28] =	ssyncset.done $0x0  }
0x8c: {  	[sflag:s28] =	ssyncadd.s32 $0xFFFFE000  }
0x8d: {  	_ =	swait.ge [sflag:s29], $0x2000  }
0x8e: {  	[sflag:s29] =	ssyncset.done $0x0  }
0x8f: {  	[sflag:s29] =	ssyncadd.s32 $0xFFFFE000  }
0x90: {  	_ =	swait.ge [sflag:s30], $0x2000  }
0x91: {  	[sflag:s30] =	ssyncset.done $0x0  }
0x92: {  	[sflag:s30] =	ssyncadd.s32 $0xFFFFE000  }
0x93: {  	p0 =	sne.s32 s4, $0x1;
	_ =	swait.ge [sflag:s31], $0x2000  }
.Ltmp0:
0x94: {  	[sflag:s31] =	ssyncset.done $0x0;
	(pc) =	sbr.rel @p0 .LBB2_1-.Ltmp0, $4  }
0x95: {  	[sflag:s31] =	ssyncadd.s32 $0xFFFFE000  }
0x96: {  	_ =	swait.ge [sflag:s2], $0x2000  }
0x97: {  	[sflag:s2] =	ssyncset.done $0x0  }
0x98: {  	s4 =	sadd.s32 $0xFFFFFFFF, s4;
	[sflag:s2] =	ssyncadd.s32 $0xFFFFE000  }
0x99: {  	_ =	sfence.sel $0x180000  }
0x9a: {  	[bflag:$0x0] =	sbarrier.arrive $0xFFFF  }
0x9b: {  	_ =	strace $0x90000047  }
0x9c: {  	s0 =	stileid.u32;
	[bflag:$0x2] =	sbarrier.arrive $0xFFFF  }
0x9d: {  	p0 =	sne.s32 s0, $0x0;
	s0 =	rddreg [dreg:$0x3]  }
0x9e: {  	s0 =	sadd.s32 @!p0 $0x100000, s0  }
0x9f: {  	[sflag:s0] =	ssyncadd.tile.s32 @!p0 $0x1;
	_ =	shalt  }
.Lfunc_end2:
_tile_overlayer_lowered:
.L_overlay_start_2:
0xa0: {  	(tag) =	ssettag $0x2  }
0xa1: {  	s0 =	rddreg [dreg:$0x0];
	s2 =	stileid.u32  }
0xa2: {  	s1 =	rddreg [dreg:$0x1];
	p0 =	sne.s32 s2, $0x0  }
0xa3: {  	s3 =	rddreg [dreg:$0x2];
	[bflag:$0x3] =	sbarrier.arrive $0xFFFF;
	s2 =	simm.s32 @!p0 $0x1C12  }
0xa4: {  	[timem:s3], [sflag:s2] =	dma.local @!p0 [hbm:s0], s1  }
0xa5: {  	s0 =	simm.s32 @!p0 $0x12  }
0xa6: {  	_ =	swait.ge @!p0 [sflag:s0], s1  }
0xa7: {  	s1 =	ssub.s32 @!p0 $0x0, s1;
	[sflag:s0] =	ssyncset.done @!p0 $0x0  }
0xa8: {  	[sflag:s0] =	ssyncadd.s32 @!p0 s1  }
0xa9: {  	[bflag:$0x3] =	sbarrier.arrive $0xFFFF  }
0xaa: {  	_ =	shalt  }

</sc_bundles>
